<compile_context>
chip_gen: v7x
topology: tpu7x:2x2x1
jax: 0.10.2.dev20260603
libtpu: 0.0.44.dev20260713+nightly
codegen_flags: <defaults>
</compile_context>

<pallas_src>
import functools

import jax
import jax.numpy as jnp
from jax import lax
from jax.experimental import pallas as pl
from jax.experimental.pallas import tpu as pltpu
from jax.experimental.pallas import tpu_sc as plsc

_B = 16384
_D = 128
_ND = 32
_NC = 2
_NS = 16
_NW = _NC * _NS
_RPW = _B // _NW
_NPH = 4
_PPW = _RPW // _NPH
_NPPW = _PPW * _ND // _D

_NROWS = _B * _ND // _D
_NBLK = 4
_NRB = _NROWS // _NBLK

_ROTS = ((13, 15, 26, 6), (17, 29, 16, 24))
_KS = (0x0, 0x1, 0x1BD11BDB)


def _rotl(x, r):
    return lax.shift_left(x, jnp.uint32(r)) | lax.shift_right_logical(
        x, jnp.uint32(32 - r))


def _threefry_noise(c2):
    x0 = c2 ^ c2
    x1 = c2 + jnp.uint32(_KS[1])
    for i in range(5):
        for r in _ROTS[i % 2]:
            x0 = x0 + x1
            x1 = _rotl(x1, r)
            x1 = x0 ^ x1
        x0 = x0 + jnp.uint32(_KS[(i + 1) % 3])
        x1 = x1 + jnp.uint32((_KS[(i + 2) % 3] + i + 1) & 0xFFFFFFFF)
    bits = x0 ^ x1
    mant = lax.convert_element_type(
        lax.shift_right_logical(bits, jnp.uint32(9)), jnp.int32)
    return lax.convert_element_type(mant, jnp.float32) * jnp.float32(
        1.0 / 8388608.0) - jnp.float32(0.5)


def _tc_noise_body(inv_ref, o_ref):
    blk = pl.program_id(0)
    base = blk * (_NRB * _D)
    flat = (lax.broadcasted_iota(jnp.int32, (_NRB, _D), 0) * _D
            + lax.broadcasted_iota(jnp.int32, (_NRB, _D), 1)) + base
    c2 = lax.convert_element_type(flat, jnp.uint32)
    o_ref[...] = _threefry_noise(c2) * inv_ref[...]


@functools.lru_cache(maxsize=1)
def _tc_noise_call():
    return pl.pallas_call(
        _tc_noise_body,
        grid=(_NBLK,),
        in_specs=[pl.BlockSpec((1, _D), lambda i: (0, 0))],
        out_specs=pl.BlockSpec((_NRB, _D), lambda i: (i, 0)),
        out_shape=jax.ShapeDtypeStruct((_NROWS, _D), jnp.float32),
    )


def _sc_body(in_hbm, idx_hbm, noise_hbm, out_hbm,
             buf0, buf1, buf2, nbuf0, nbuf1, nbuf2, idx_v,
             si0, si1, si2, sn0, sn1, sn2, so):
    c = lax.axis_index("c")
    s = lax.axis_index("s")
    wid = s * _NC + c
    row0 = wid * _RPW

    bufs = (buf0, buf1, buf2)
    nbufs = (nbuf0, nbuf1, nbuf2)
    sis = (si0, si1, si2)
    sns = (sn0, sn1, sn2)

    def start_in(p):
        r0 = row0 + p * _PPW
        nr0 = pl.multiple_of(wid * (_NPH * _NPPW) + p * _NPPW, 8)
        ci = pltpu.async_copy(in_hbm.at[pl.ds(r0, _PPW)], bufs[p % 3],
                              sis[p % 3])
        cn = pltpu.async_copy(noise_hbm.at[pl.ds(nr0, _NPPW)], nbufs[p % 3],
                              sns[p % 3])
        return ci, cn

    copies = [start_in(0), start_in(1), start_in(2)]
    pltpu.sync_copy(idx_hbm, idx_v)
    lane_i = lax.iota(jnp.int32, 16)
    cols = [idx_v[pl.ds(0, 16)], idx_v[pl.ds(16, 16)]]

    copies_out = []
    drained = []
    for p in range(_NPH):
        b = p % 3
        ci, cn = copies[p]
        ci.wait()
        cn.wait()
        buf, nbuf = bufs[b], nbufs[b]

        def row_step(t, carry, buf=buf, nbuf=nbuf):
            rv = lane_i * 0 + t * 4
            for u in range(4):
                row_vec = rv + u
                for h in range(2):
                    n = nbuf[t, pl.ds(u * _ND + 16 * h, 16)]
                    x = plsc.load_gather(buf, [row_vec, cols[h]])
                    plsc.store_scatter(buf, [row_vec, cols[h]], x + n)
            return carry

        lax.fori_loop(0, _PPW // 4, row_step, 0)
        r0 = row0 + p * _PPW
        copies_out.append(
            pltpu.async_copy(buf, out_hbm.at[pl.ds(r0, _PPW)], so))
        q = p + 2
        if 3 <= q < _NPH:
            drained.append(q - 3)
            copies_out[q - 3].wait()
            copies.append(start_in(q))
    for p in range(_NPH):
        if p not in drained:
            copies_out[p].wait()


@functools.lru_cache(maxsize=1)
def _sc_call():
    return pl.kernel(
        _sc_body,
        out_type=jax.ShapeDtypeStruct((_B, _D), jnp.float32),
        mesh=plsc.VectorSubcoreMesh(core_axis_name="c", subcore_axis_name="s",
                                    num_cores=_NC, num_subcores=_NS),
        compiler_params=pltpu.CompilerParams(needs_layout_passes=False),
        scratch_types=[
            pltpu.VMEM((_PPW, _D), jnp.float32),
            pltpu.VMEM((_PPW, _D), jnp.float32),
            pltpu.VMEM((_PPW, _D), jnp.float32),
            pltpu.VMEM((_NPPW, _D), jnp.float32),
            pltpu.VMEM((_NPPW, _D), jnp.float32),
            pltpu.VMEM((_NPPW, _D), jnp.float32),
            pltpu.VMEM((_ND,), jnp.int32),
            pltpu.SemaphoreType.DMA,
            pltpu.SemaphoreType.DMA,
            pltpu.SemaphoreType.DMA,
            pltpu.SemaphoreType.DMA,
            pltpu.SemaphoreType.DMA,
            pltpu.SemaphoreType.DMA,
            pltpu.SemaphoreType.DMA,
        ],
    )


def kernel(inputs, discrete_shift, discrete_scale, discrete_idx):
    inv_tiled = jnp.tile(jnp.float32(1.0) / discrete_scale, _D // _ND)
    noise = _tc_noise_call()(inv_tiled.reshape(1, _D))
    return _sc_call()(inputs, discrete_idx, noise)

# --- scband reference (transcript-rebuilt; emitter-appended) ---
"""Pipeline reference for scband-selective-dequantization-transform-28793460752876 (READ-ONLY COPY).

The authoritative reference and input builder live on the scoring server;
editing this copy changes nothing except your own understanding.
"""

import jax, jax.numpy as jnp
import numpy as np

B = 16384
D = 128
DISCRETE_IDX = np.arange(0, 128, 4, dtype=np.int32)  # 32 discrete columns


def setup_inputs(seed: int = 0) -> dict:
    key = jax.random.key(seed)
    k_in, _ = jax.random.split(key)
    inputs = jax.random.normal(k_in, (B, D), dtype=jnp.float32)
    discrete_idx = jnp.asarray(DISCRETE_IDX, dtype=jnp.int32)
    discrete_shift = jnp.full((discrete_idx.shape[0],), 0.5, dtype=jnp.float32)
    discrete_scale = jnp.full((discrete_idx.shape[0],), 2.0, dtype=jnp.float32)
    return {
        "inputs": inputs,
        "discrete_shift": discrete_shift,
        "discrete_scale": discrete_scale,
        "discrete_idx": discrete_idx,
    }


def reference(inputs, discrete_shift, discrete_scale, discrete_idx):
    # Faithful translation of SelectiveDequantizationTransform.forward, vectorized
    # over the discrete columns instead of a python loop (same math per column).
    # outputs[:, idx] = (outputs[:, idx]*scale + shift + noise - shift) / scale
    noise_key = jax.random.key(1)
    n_disc = discrete_idx.shape[0]
    noise = jax.random.uniform(noise_key, (inputs.shape[0], n_disc), dtype=inputs.dtype) - 0.5
    cols = jnp.take(inputs, discrete_idx, axis=1)                     # gather columns
    discrete = cols * discrete_scale[None, :] + discrete_shift[None, :]
    new_cols = (discrete + noise - discrete_shift[None, :]) / discrete_scale[None, :]
    outputs = inputs.at[:, discrete_idx].set(new_cols)                # scatter-overwrite
    return outputs

if __name__ == "__main__":
    import jax
    _d = setup_inputs()
    print(jax.jit(kernel)(*tuple(_d.values())))

</pallas_src>

<mosaic_0001>
#map = affine_map<(d0, d1) -> (0, 0)>
#map1 = affine_map<(d0, d1) -> (0)>
module attributes {stable_mosaic.version = 14 : i64} {
  func.func @_sc_body(%arg0: i32, %arg1: i32, %arg2: memref<16384x128xf32, #tpu.memory_space<hbm>>, %arg3: memref<32xi32, #tpu.memory_space<hbm>>, %arg4: memref<4096x128xf32, #tpu.memory_space<hbm>>, %arg5: memref<16384x128xf32, #tpu.memory_space<hbm>>, %arg6: memref<128x128xf32, #tpu.memory_space<vmem>>, %arg7: memref<128x128xf32, #tpu.memory_space<vmem>>, %arg8: memref<128x128xf32, #tpu.memory_space<vmem>>, %arg9: memref<32x128xf32, #tpu.memory_space<vmem>>, %arg10: memref<32x128xf32, #tpu.memory_space<vmem>>, %arg11: memref<32x128xf32, #tpu.memory_space<vmem>>, %arg12: memref<32xi32, #tpu.memory_space<vmem>>, %arg13: memref<!tpu.dma_semaphore, #tpu.memory_space<semaphore_mem>>, %arg14: memref<!tpu.dma_semaphore, #tpu.memory_space<semaphore_mem>>, %arg15: memref<!tpu.dma_semaphore, #tpu.memory_space<semaphore_mem>>, %arg16: memref<!tpu.dma_semaphore, #tpu.memory_space<semaphore_mem>>, %arg17: memref<!tpu.dma_semaphore, #tpu.memory_space<semaphore_mem>>, %arg18: memref<!tpu.dma_semaphore, #tpu.memory_space<semaphore_mem>>, %arg19: memref<!tpu.dma_semaphore, #tpu.memory_space<semaphore_mem>>) attributes {dimension_semantics = [#tpu.dimension_semantics<core_parallel>, #tpu.dimension_semantics<subcore_parallel>], iteration_bounds = array<i64: 2, 16>, scalar_prefetch = 0 : i64, scratch_operands = 14 : i64, tpu.core_type = #tpu.core_type<sc_vector_subcore>, window_params = [{transform_indices = #map}, {transform_indices = #map1}, {transform_indices = #map}, {transform_indices = #map}]} {
    %mul3A = arith.constant 2 : i32
    %mul3A_0 = arith.muli %arg1, %mul3A : i32
    %add3A = arith.addi %mul3A_0, %arg0 : i32
    %mul3A_1 = arith.constant 512 : i32
    %mul3A_2 = arith.muli %add3A, %mul3A_1 : i32
    %add3A_3 = arith.constant 0 : i32
    %add3A_4 = arith.addi %mul3A_2, %add3A_3 : i32
    %mul3A_5 = arith.constant 128 : i32
    %mul3A_6 = arith.muli %add3A, %mul3A_5 : i32
    %add3A_7 = arith.constant 0 : i32
    %add3A_8 = arith.addi %mul3A_6, %add3A_7 : i32
    %multiple_of3A = tpu.assume_multiple %add3A_8, 8 : i32
    %dma_start3A = arith.constant 0 : i32
    %dma_start3A_9 = tpu.memref_slice %arg2[%add3A_4, %dma_start3A] : memref<16384x128xf32, #tpu.memory_space<hbm>> -> memref<128x128xf32, #tpu.memory_space<hbm>>
    %dma_start3A_10 = arith.constant 0 : i32
    %dma_start3A_11 = tpu.memref_slice %arg2[%add3A_4, %dma_start3A_10] : memref<16384x128xf32, #tpu.memory_space<hbm>> -> memref<128x128xf32, #tpu.memory_space<hbm>>
    tpu.enqueue_dma source(%dma_start3A_11 : memref<128x128xf32, #tpu.memory_space<hbm>>) target(%arg6 : memref<128x128xf32, #tpu.memory_space<vmem>>) target_semaphore(%arg13 : memref<!tpu.dma_semaphore, #tpu.memory_space<semaphore_mem>>)
    %dma_start3A_12 = arith.constant 0 : i32
    %dma_start3A_13 = tpu.memref_slice %arg4[%multiple_of3A, %dma_start3A_12] : memref<4096x128xf32, #tpu.memory_space<hbm>> -> memref<32x128xf32, #tpu.memory_space<hbm>>
    %dma_start3A_14 = arith.constant 0 : i32
    %dma_start3A_15 = tpu.memref_slice %arg4[%multiple_of3A, %dma_start3A_14] : memref<4096x128xf32, #tpu.memory_space<hbm>> -> memref<32x128xf32, #tpu.memory_space<hbm>>
    tpu.enqueue_dma source(%dma_start3A_15 : memref<32x128xf32, #tpu.memory_space<hbm>>) target(%arg9 : memref<32x128xf32, #tpu.memory_space<vmem>>) target_semaphore(%arg16 : memref<!tpu.dma_semaphore, #tpu.memory_space<semaphore_mem>>)
    %add3A_16 = arith.constant 128 : i32
    %add3A_17 = arith.addi %mul3A_2, %add3A_16 : i32
    %mul3A_18 = arith.constant 128 : i32
    %mul3A_19 = arith.muli %add3A, %mul3A_18 : i32
    %add3A_20 = arith.constant 32 : i32
    %add3A_21 = arith.addi %mul3A_19, %add3A_20 : i32
    %multiple_of3A_22 = tpu.assume_multiple %add3A_21, 8 : i32
    %dma_start3A_23 = arith.constant 0 : i32
    %dma_start3A_24 = tpu.memref_slice %arg2[%add3A_17, %dma_start3A_23] : memref<16384x128xf32, #tpu.memory_space<hbm>> -> memref<128x128xf32, #tpu.memory_space<hbm>>
    %dma_start3A_25 = arith.constant 0 : i32
    %dma_start3A_26 = tpu.memref_slice %arg2[%add3A_17, %dma_start3A_25] : memref<16384x128xf32, #tpu.memory_space<hbm>> -> memref<128x128xf32, #tpu.memory_space<hbm>>
    tpu.enqueue_dma source(%dma_start3A_26 : memref<128x128xf32, #tpu.memory_space<hbm>>) target(%arg7 : memref<128x128xf32, #tpu.memory_space<vmem>>) target_semaphore(%arg14 : memref<!tpu.dma_semaphore, #tpu.memory_space<semaphore_mem>>)
    %dma_start3A_27 = arith.constant 0 : i32
    %dma_start3A_28 = tpu.memref_slice %arg4[%multiple_of3A_22, %dma_start3A_27] : memref<4096x128xf32, #tpu.memory_space<hbm>> -> memref<32x128xf32, #tpu.memory_space<hbm>>
    %dma_start3A_29 = arith.constant 0 : i32
    %dma_start3A_30 = tpu.memref_slice %arg4[%multiple_of3A_22, %dma_start3A_29] : memref<4096x128xf32, #tpu.memory_space<hbm>> -> memref<32x128xf32, #tpu.memory_space<hbm>>
    tpu.enqueue_dma source(%dma_start3A_30 : memref<32x128xf32, #tpu.memory_space<hbm>>) target(%arg10 : memref<32x128xf32, #tpu.memory_space<vmem>>) target_semaphore(%arg17 : memref<!tpu.dma_semaphore, #tpu.memory_space<semaphore_mem>>)
    %add3A_31 = arith.constant 256 : i32
    %add3A_32 = arith.addi %mul3A_2, %add3A_31 : i32
    %mul3A_33 = arith.constant 128 : i32
    %mul3A_34 = arith.muli %add3A, %mul3A_33 : i32
    %add3A_35 = arith.constant 64 : i32
    %add3A_36 = arith.addi %mul3A_34, %add3A_35 : i32
    %multiple_of3A_37 = tpu.assume_multiple %add3A_36, 8 : i32
    %dma_start3A_38 = arith.constant 0 : i32
    %dma_start3A_39 = tpu.memref_slice %arg2[%add3A_32, %dma_start3A_38] : memref<16384x128xf32, #tpu.memory_space<hbm>> -> memref<128x128xf32, #tpu.memory_space<hbm>>
    %dma_start3A_40 = arith.constant 0 : i32
    %dma_start3A_41 = tpu.memref_slice %arg2[%add3A_32, %dma_start3A_40] : memref<16384x128xf32, #tpu.memory_space<hbm>> -> memref<128x128xf32, #tpu.memory_space<hbm>>
    tpu.enqueue_dma source(%dma_start3A_41 : memref<128x128xf32, #tpu.memory_space<hbm>>) target(%arg8 : memref<128x128xf32, #tpu.memory_space<vmem>>) target_semaphore(%arg15 : memref<!tpu.dma_semaphore, #tpu.memory_space<semaphore_mem>>)
    %dma_start3A_42 = arith.constant 0 : i32
    %dma_start3A_43 = tpu.memref_slice %arg4[%multiple_of3A_37, %dma_start3A_42] : memref<4096x128xf32, #tpu.memory_space<hbm>> -> memref<32x128xf32, #tpu.memory_space<hbm>>
    %dma_start3A_44 = arith.constant 0 : i32
    %dma_start3A_45 = tpu.memref_slice %arg4[%multiple_of3A_37, %dma_start3A_44] : memref<4096x128xf32, #tpu.memory_space<hbm>> -> memref<32x128xf32, #tpu.memory_space<hbm>>
    tpu.enqueue_dma source(%dma_start3A_45 : memref<32x128xf32, #tpu.memory_space<hbm>>) target(%arg11 : memref<32x128xf32, #tpu.memory_space<vmem>>) target_semaphore(%arg18 : memref<!tpu.dma_semaphore, #tpu.memory_space<semaphore_mem>>)
    "tpu.region"() ({
      %run_scoped3A = tpu.sem_alloc : memref<!tpu.dma_semaphore, #tpu.memory_space<semaphore_mem>>
      tpu.enqueue_dma source(%arg3 : memref<32xi32, #tpu.memory_space<hbm>>) target(%arg12 : memref<32xi32, #tpu.memory_space<vmem>>) target_semaphore(%run_scoped3A : memref<!tpu.dma_semaphore, #tpu.memory_space<semaphore_mem>>)
      tpu.wait_dma2 semaphore(%run_scoped3A : memref<!tpu.dma_semaphore, #tpu.memory_space<semaphore_mem>>) src(%arg3 : memref<32xi32, #tpu.memory_space<hbm>>) dst(%arg12 : memref<32xi32, #tpu.memory_space<vmem>>)
      tpu.yield
    }) : () -> ()
    %iota3A = tpu.iota {dimensions = array<i32: 0>} : vector<16xi32>
    %get3A = arith.constant 0 : index
    %get3A_46 = tpu.vector_load %arg12[%get3A] {strides = array<i32>} : memref<32xi32, #tpu.memory_space<vmem>>, vector<16xi32>,
    %get3A_47 = arith.constant 16 : index
    %get3A_48 = tpu.vector_load %arg12[%get3A_47] {strides = array<i32>} : memref<32xi32, #tpu.memory_space<vmem>>, vector<16xi32>,
    %dma_wait3A = arith.constant 0 : i32
    %dma_wait3A_49 = tpu.memref_slice %arg2[%add3A_4, %dma_wait3A] : memref<16384x128xf32, #tpu.memory_space<hbm>> -> memref<128x128xf32, #tpu.memory_space<hbm>>
    %dma_wait3A_50 = arith.constant 0 : i32
    %dma_wait3A_51 = tpu.memref_slice %arg2[%add3A_4, %dma_wait3A_50] : memref<16384x128xf32, #tpu.memory_space<hbm>> -> memref<128x128xf32, #tpu.memory_space<hbm>>
    tpu.wait_dma2 semaphore(%arg13 : memref<!tpu.dma_semaphore, #tpu.memory_space<semaphore_mem>>) src(%dma_wait3A_51 : memref<128x128xf32, #tpu.memory_space<hbm>>) dst(%arg6 : memref<128x128xf32, #tpu.memory_space<vmem>>)
    %dma_wait3A_52 = arith.constant 0 : i32
    %dma_wait3A_53 = tpu.memref_slice %arg4[%multiple_of3A, %dma_wait3A_52] : memref<4096x128xf32, #tpu.memory_space<hbm>> -> memref<32x128xf32, #tpu.memory_space<hbm>>
    %dma_wait3A_54 = arith.constant 0 : i32
    %dma_wait3A_55 = tpu.memref_slice %arg4[%multiple_of3A, %dma_wait3A_54] : memref<4096x128xf32, #tpu.memory_space<hbm>> -> memref<32x128xf32, #tpu.memory_space<hbm>>
    tpu.wait_dma2 semaphore(%arg16 : memref<!tpu.dma_semaphore, #tpu.memory_space<semaphore_mem>>) src(%dma_wait3A_55 : memref<32x128xf32, #tpu.memory_space<hbm>>) dst(%arg9 : memref<32x128xf32, #tpu.memory_space<vmem>>)
    %scan3A = arith.constant 0 : i32
    %scan3A_56 = arith.constant 0 : i32
    %scan3A_57 = arith.constant 32 : i32
    %scan3A_58 = arith.addi %scan3A_56, %scan3A_57 : i32
    %scan3A_59 = arith.constant 1 : i32
    scf.for %scan3A_158 = %scan3A_56 to %scan3A_58 step %scan3A_59  : i32 {
      %mul3A_159 = arith.constant 0 : i32
      %mul3A_160 = vector.broadcast %mul3A_159 : i32 to vector<16xi32>
      %mul3A_161 = arith.muli %iota3A, %mul3A_160 : vector<16xi32>
      %mul3A_162 = arith.constant 4 : i32
      %mul3A_163 = arith.muli %scan3A_158, %mul3A_162 : i32
      %add3A_164 = vector.broadcast %mul3A_163 : i32 to vector<16xi32>
      %add3A_165 = arith.addi %mul3A_161, %add3A_164 : vector<16xi32>
      %add3A_166 = arith.constant 0 : i32
      %add3A_167 = vector.broadcast %add3A_166 : i32 to vector<16xi32>
      %add3A_168 = arith.addi %add3A_165, %add3A_167 : vector<16xi32>
      %get3A_169 = arith.index_cast %scan3A_158 : i32 to index
      %get3A_170 = arith.constant 0 : index
      %get3A_171 = tpu.vector_load %arg9[%get3A_169, %get3A_170] {strides = array<i32>} : memref<32x128xf32, #tpu.memory_space<vmem>>, vector<16xf32>,
      %gather3A = tpu.vector_load_idx %arg6[%add3A_168, %get3A_46] : memref<128x128xf32, #tpu.memory_space<vmem>>[vector<16xi32>, vector<16xi32>], vector<16xf32>,
      %add3A_172 = arith.addf %gather3A, %get3A_171 : vector<16xf32>
      tpu.vector_store_idx %arg6[%add3A_168, %get3A_46], %add3A_172 : memref<128x128xf32, #tpu.memory_space<vmem>>[vector<16xi32>, vector<16xi32>], vector<16xf32>,
      %get3A_173 = arith.index_cast %scan3A_158 : i32 to index
      %get3A_174 = arith.constant 16 : index
      %get3A_175 = tpu.vector_load %arg9[%get3A_173, %get3A_174] {strides = array<i32>} : memref<32x128xf32, #tpu.memory_space<vmem>>, vector<16xf32>,
      %gather3A_176 = tpu.vector_load_idx %arg6[%add3A_168, %get3A_48] : memref<128x128xf32, #tpu.memory_space<vmem>>[vector<16xi32>, vector<16xi32>], vector<16xf32>,
      %add3A_177 = arith.addf %gather3A_176, %get3A_175 : vector<16xf32>
      tpu.vector_store_idx %arg6[%add3A_168, %get3A_48], %add3A_177 : memref<128x128xf32, #tpu.memory_space<vmem>>[vector<16xi32>, vector<16xi32>], vector<16xf32>,
      %add3A_178 = arith.constant 1 : i32
      %add3A_179 = vector.broadcast %add3A_178 : i32 to vector<16xi32>
      %add3A_180 = arith.addi %add3A_165, %add3A_179 : vector<16xi32>
      %get3A_181 = arith.index_cast %scan3A_158 : i32 to index
      %get3A_182 = arith.constant 32 : index
      %get3A_183 = tpu.vector_load %arg9[%get3A_181, %get3A_182] {strides = array<i32>} : memref<32x128xf32, #tpu.memory_space<vmem>>, vector<16xf32>,
      %gather3A_184 = tpu.vector_load_idx %arg6[%add3A_180, %get3A_46] : memref<128x128xf32, #tpu.memory_space<vmem>>[vector<16xi32>, vector<16xi32>], vector<16xf32>,
      %add3A_185 = arith.addf %gather3A_184, %get3A_183 : vector<16xf32>
      tpu.vector_store_idx %arg6[%add3A_180, %get3A_46], %add3A_185 : memref<128x128xf32, #tpu.memory_space<vmem>>[vector<16xi32>, vector<16xi32>], vector<16xf32>,
      %get3A_186 = arith.index_cast %scan3A_158 : i32 to index
      %get3A_187 = arith.constant 48 : index
      %get3A_188 = tpu.vector_load %arg9[%get3A_186, %get3A_187] {strides = array<i32>} : memref<32x128xf32, #tpu.memory_space<vmem>>, vector<16xf32>,
      %gather3A_189 = tpu.vector_load_idx %arg6[%add3A_180, %get3A_48] : memref<128x128xf32, #tpu.memory_space<vmem>>[vector<16xi32>, vector<16xi32>], vector<16xf32>,
      %add3A_190 = arith.addf %gather3A_189, %get3A_188 : vector<16xf32>
      tpu.vector_store_idx %arg6[%add3A_180, %get3A_48], %add3A_190 : memref<128x128xf32, #tpu.memory_space<vmem>>[vector<16xi32>, vector<16xi32>], vector<16xf32>,
      %add3A_191 = arith.constant 2 : i32
      %add3A_192 = vector.broadcast %add3A_191 : i32 to vector<16xi32>
      %add3A_193 = arith.addi %add3A_165, %add3A_192 : vector<16xi32>
      %get3A_194 = arith.index_cast %scan3A_158 : i32 to index
      %get3A_195 = arith.constant 64 : index
      %get3A_196 = tpu.vector_load %arg9[%get3A_194, %get3A_195] {strides = array<i32>} : memref<32x128xf32, #tpu.memory_space<vmem>>, vector<16xf32>,
      %gather3A_197 = tpu.vector_load_idx %arg6[%add3A_193, %get3A_46] : memref<128x128xf32, #tpu.memory_space<vmem>>[vector<16xi32>, vector<16xi32>], vector<16xf32>,
      %add3A_198 = arith.addf %gather3A_197, %get3A_196 : vector<16xf32>
      tpu.vector_store_idx %arg6[%add3A_193, %get3A_46], %add3A_198 : memref<128x128xf32, #tpu.memory_space<vmem>>[vector<16xi32>, vector<16xi32>], vector<16xf32>,
      %get3A_199 = arith.index_cast %scan3A_158 : i32 to index
      %get3A_200 = arith.constant 80 : index
      %get3A_201 = tpu.vector_load %arg9[%get3A_199, %get3A_200] {strides = array<i32>} : memref<32x128xf32, #tpu.memory_space<vmem>>, vector<16xf32>,
      %gather3A_202 = tpu.vector_load_idx %arg6[%add3A_193, %get3A_48] : memref<128x128xf32, #tpu.memory_space<vmem>>[vector<16xi32>, vector<16xi32>], vector<16xf32>,
      %add3A_203 = arith.addf %gather3A_202, %get3A_201 : vector<16xf32>
      tpu.vector_store_idx %arg6[%add3A_193, %get3A_48], %add3A_203 : memref<128x128xf32, #tpu.memory_space<vmem>>[vector<16xi32>, vector<16xi32>], vector<16xf32>,
      %add3A_204 = arith.constant 3 : i32
      %add3A_205 = vector.broadcast %add3A_204 : i32 to vector<16xi32>
      %add3A_206 = arith.addi %add3A_165, %add3A_205 : vector<16xi32>
      %get3A_207 = arith.index_cast %scan3A_158 : i32 to index
      %get3A_208 = arith.constant 96 : index
      %get3A_209 = tpu.vector_load %arg9[%get3A_207, %get3A_208] {strides = array<i32>} : memref<32x128xf32, #tpu.memory_space<vmem>>, vector<16xf32>,
      %gather3A_210 = tpu.vector_load_idx %arg6[%add3A_206, %get3A_46] : memref<128x128xf32, #tpu.memory_space<vmem>>[vector<16xi32>, vector<16xi32>], vector<16xf32>,
      %add3A_211 = arith.addf %gather3A_210, %get3A_209 : vector<16xf32>
      tpu.vector_store_idx %arg6[%add3A_206, %get3A_46], %add3A_211 : memref<128x128xf32, #tpu.memory_space<vmem>>[vector<16xi32>, vector<16xi32>], vector<16xf32>,
      %get3A_212 = arith.index_cast %scan3A_158 : i32 to index
      %get3A_213 = arith.constant 112 : index
      %get3A_214 = tpu.vector_load %arg9[%get3A_212, %get3A_213] {strides = array<i32>} : memref<32x128xf32, #tpu.memory_space<vmem>>, vector<16xf32>,
      %gather3A_215 = tpu.vector_load_idx %arg6[%add3A_206, %get3A_48] : memref<128x128xf32, #tpu.memory_space<vmem>>[vector<16xi32>, vector<16xi32>], vector<16xf32>,
      %add3A_216 = arith.addf %gather3A_215, %get3A_214 : vector<16xf32>
      tpu.vector_store_idx %arg6[%add3A_206, %get3A_48], %add3A_216 : memref<128x128xf32, #tpu.memory_space<vmem>>[vector<16xi32>, vector<16xi32>], vector<16xf32>,
    }
    %scan3A_60 = arith.constant 32 : i32
    %add3A_61 = arith.constant 0 : i32
    %add3A_62 = arith.addi %mul3A_2, %add3A_61 : i32
    %dma_start3A_63 = arith.constant 0 : i32
    %dma_start3A_64 = tpu.memref_slice %arg5[%add3A_62, %dma_start3A_63] : memref<16384x128xf32, #tpu.memory_space<hbm>> -> memref<128x128xf32, #tpu.memory_space<hbm>>
    %dma_start3A_65 = arith.constant 0 : i32
    %dma_start3A_66 = tpu.memref_slice %arg5[%add3A_62, %dma_start3A_65] : memref<16384x128xf32, #tpu.memory_space<hbm>> -> memref<128x128xf32, #tpu.memory_space<hbm>>
    tpu.enqueue_dma source(%arg6 : memref<128x128xf32, #tpu.memory_space<vmem>>) target(%dma_start3A_66 : memref<128x128xf32, #tpu.memory_space<hbm>>) target_semaphore(%arg19 : memref<!tpu.dma_semaphore, #tpu.memory_space<semaphore_mem>>)
    %dma_wait3A_67 = arith.constant 0 : i32
    %dma_wait3A_68 = tpu.memref_slice %arg2[%add3A_17, %dma_wait3A_67] : memref<16384x128xf32, #tpu.memory_space<hbm>> -> memref<128x128xf32, #tpu.memory_space<hbm>>
    %dma_wait3A_69 = arith.constant 0 : i32
    %dma_wait3A_70 = tpu.memref_slice %arg2[%add3A_17, %dma_wait3A_69] : memref<16384x128xf32, #tpu.memory_space<hbm>> -> memref<128x128xf32, #tpu.memory_space<hbm>>
    tpu.wait_dma2 semaphore(%arg14 : memref<!tpu.dma_semaphore, #tpu.memory_space<semaphore_mem>>) src(%dma_wait3A_70 : memref<128x128xf32, #tpu.memory_space<hbm>>) dst(%arg7 : memref<128x128xf32, #tpu.memory_space<vmem>>)
    %dma_wait3A_71 = arith.constant 0 : i32
    %dma_wait3A_72 = tpu.memref_slice %arg4[%multiple_of3A_22, %dma_wait3A_71] : memref<4096x128xf32, #tpu.memory_space<hbm>> -> memref<32x128xf32, #tpu.memory_space<hbm>>
    %dma_wait3A_73 = arith.constant 0 : i32
    %dma_wait3A_74 = tpu.memref_slice %arg4[%multiple_of3A_22, %dma_wait3A_73] : memref<4096x128xf32, #tpu.memory_space<hbm>> -> memref<32x128xf32, #tpu.memory_space<hbm>>
    tpu.wait_dma2 semaphore(%arg17 : memref<!tpu.dma_semaphore, #tpu.memory_space<semaphore_mem>>) src(%dma_wait3A_74 : memref<32x128xf32, #tpu.memory_space<hbm>>) dst(%arg10 : memref<32x128xf32, #tpu.memory_space<vmem>>)
    %scan3A_75 = arith.constant 0 : i32
    %scan3A_76 = arith.constant 0 : i32
    %scan3A_77 = arith.constant 32 : i32
    %scan3A_78 = arith.addi %scan3A_76, %scan3A_77 : i32
    %scan3A_79 = arith.constant 1 : i32
    scf.for %scan3A_158 = %scan3A_76 to %scan3A_78 step %scan3A_79  : i32 {
      %mul3A_159 = arith.constant 0 : i32
      %mul3A_160 = vector.broadcast %mul3A_159 : i32 to vector<16xi32>
      %mul3A_161 = arith.muli %iota3A, %mul3A_160 : vector<16xi32>
      %mul3A_162 = arith.constant 4 : i32
      %mul3A_163 = arith.muli %scan3A_158, %mul3A_162 : i32
      %add3A_164 = vector.broadcast %mul3A_163 : i32 to vector<16xi32>
      %add3A_165 = arith.addi %mul3A_161, %add3A_164 : vector<16xi32>
      %add3A_166 = arith.constant 0 : i32
      %add3A_167 = vector.broadcast %add3A_166 : i32 to vector<16xi32>
      %add3A_168 = arith.addi %add3A_165, %add3A_167 : vector<16xi32>
      %get3A_169 = arith.index_cast %scan3A_158 : i32 to index
      %get3A_170 = arith.constant 0 : index
      %get3A_171 = tpu.vector_load %arg10[%get3A_169, %get3A_170] {strides = array<i32>} : memref<32x128xf32, #tpu.memory_space<vmem>>, vector<16xf32>,
      %gather3A = tpu.vector_load_idx %arg7[%add3A_168, %get3A_46] : memref<128x128xf32, #tpu.memory_space<vmem>>[vector<16xi32>, vector<16xi32>], vector<16xf32>,
      %add3A_172 = arith.addf %gather3A, %get3A_171 : vector<16xf32>
      tpu.vector_store_idx %arg7[%add3A_168, %get3A_46], %add3A_172 : memref<128x128xf32, #tpu.memory_space<vmem>>[vector<16xi32>, vector<16xi32>], vector<16xf32>,
      %get3A_173 = arith.index_cast %scan3A_158 : i32 to index
      %get3A_174 = arith.constant 16 : index
      %get3A_175 = tpu.vector_load %arg10[%get3A_173, %get3A_174] {strides = array<i32>} : memref<32x128xf32, #tpu.memory_space<vmem>>, vector<16xf32>,
      %gather3A_176 = tpu.vector_load_idx %arg7[%add3A_168, %get3A_48] : memref<128x128xf32, #tpu.memory_space<vmem>>[vector<16xi32>, vector<16xi32>], vector<16xf32>,
      %add3A_177 = arith.addf %gather3A_176, %get3A_175 : vector<16xf32>
      tpu.vector_store_idx %arg7[%add3A_168, %get3A_48], %add3A_177 : memref<128x128xf32, #tpu.memory_space<vmem>>[vector<16xi32>, vector<16xi32>], vector<16xf32>,
      %add3A_178 = arith.constant 1 : i32
      %add3A_179 = vector.broadcast %add3A_178 : i32 to vector<16xi32>
      %add3A_180 = arith.addi %add3A_165, %add3A_179 : vector<16xi32>
      %get3A_181 = arith.index_cast %scan3A_158 : i32 to index
      %get3A_182 = arith.constant 32 : index
      %get3A_183 = tpu.vector_load %arg10[%get3A_181, %get3A_182] {strides = array<i32>} : memref<32x128xf32, #tpu.memory_space<vmem>>, vector<16xf32>,
      %gather3A_184 = tpu.vector_load_idx %arg7[%add3A_180, %get3A_46] : memref<128x128xf32, #tpu.memory_space<vmem>>[vector<16xi32>, vector<16xi32>], vector<16xf32>,
      %add3A_185 = arith.addf %gather3A_184, %get3A_183 : vector<16xf32>
      tpu.vector_store_idx %arg7[%add3A_180, %get3A_46], %add3A_185 : memref<128x128xf32, #tpu.memory_space<vmem>>[vector<16xi32>, vector<16xi32>], vector<16xf32>,
      %get3A_186 = arith.index_cast %scan3A_158 : i32 to index
      %get3A_187 = arith.constant 48 : index
      %get3A_188 = tpu.vector_load %arg10[%get3A_186, %get3A_187] {strides = array<i32>} : memref<32x128xf32, #tpu.memory_space<vmem>>, vector<16xf32>,
      %gather3A_189 = tpu.vector_load_idx %arg7[%add3A_180, %get3A_48] : memref<128x128xf32, #tpu.memory_space<vmem>>[vector<16xi32>, vector<16xi32>], vector<16xf32>,
      %add3A_190 = arith.addf %gather3A_189, %get3A_188 : vector<16xf32>
      tpu.vector_store_idx %arg7[%add3A_180, %get3A_48], %add3A_190 : memref<128x128xf32, #tpu.memory_space<vmem>>[vector<16xi32>, vector<16xi32>], vector<16xf32>,
      %add3A_191 = arith.constant 2 : i32
      %add3A_192 = vector.broadcast %add3A_191 : i32 to vector<16xi32>
      %add3A_193 = arith.addi %add3A_165, %add3A_192 : vector<16xi32>
      %get3A_194 = arith.index_cast %scan3A_158 : i32 to index
      %get3A_195 = arith.constant 64 : index
      %get3A_196 = tpu.vector_load %arg10[%get3A_194, %get3A_195] {strides = array<i32>} : memref<32x128xf32, #tpu.memory_space<vmem>>, vector<16xf32>,
      %gather3A_197 = tpu.vector_load_idx %arg7[%add3A_193, %get3A_46] : memref<128x128xf32, #tpu.memory_space<vmem>>[vector<16xi32>, vector<16xi32>], vector<16xf32>,
      %add3A_198 = arith.addf %gather3A_197, %get3A_196 : vector<16xf32>
      tpu.vector_store_idx %arg7[%add3A_193, %get3A_46], %add3A_198 : memref<128x128xf32, #tpu.memory_space<vmem>>[vector<16xi32>, vector<16xi32>], vector<16xf32>,
      %get3A_199 = arith.index_cast %scan3A_158 : i32 to index
      %get3A_200 = arith.constant 80 : index
      %get3A_201 = tpu.vector_load %arg10[%get3A_199, %get3A_200] {strides = array<i32>} : memref<32x128xf32, #tpu.memory_space<vmem>>, vector<16xf32>,
      %gather3A_202 = tpu.vector_load_idx %arg7[%add3A_193, %get3A_48] : memref<128x128xf32, #tpu.memory_space<vmem>>[vector<16xi32>, vector<16xi32>], vector<16xf32>,
      %add3A_203 = arith.addf %gather3A_202, %get3A_201 : vector<16xf32>
      tpu.vector_store_idx %arg7[%add3A_193, %get3A_48], %add3A_203 : memref<128x128xf32, #tpu.memory_space<vmem>>[vector<16xi32>, vector<16xi32>], vector<16xf32>,
      %add3A_204 = arith.constant 3 : i32
      %add3A_205 = vector.broadcast %add3A_204 : i32 to vector<16xi32>
      %add3A_206 = arith.addi %add3A_165, %add3A_205 : vector<16xi32>
      %get3A_207 = arith.index_cast %scan3A_158 : i32 to index
      %get3A_208 = arith.constant 96 : index
      %get3A_209 = tpu.vector_load %arg10[%get3A_207, %get3A_208] {strides = array<i32>} : memref<32x128xf32, #tpu.memory_space<vmem>>, vector<16xf32>,
      %gather3A_210 = tpu.vector_load_idx %arg7[%add3A_206, %get3A_46] : memref<128x128xf32, #tpu.memory_space<vmem>>[vector<16xi32>, vector<16xi32>], vector<16xf32>,
      %add3A_211 = arith.addf %gather3A_210, %get3A_209 : vector<16xf32>
      tpu.vector_store_idx %arg7[%add3A_206, %get3A_46], %add3A_211 : memref<128x128xf32, #tpu.memory_space<vmem>>[vector<16xi32>, vector<16xi32>], vector<16xf32>,
      %get3A_212 = arith.index_cast %scan3A_158 : i32 to index
      %get3A_213 = arith.constant 112 : index
      %get3A_214 = tpu.vector_load %arg10[%get3A_212, %get3A_213] {strides = array<i32>} : memref<32x128xf32, #tpu.memory_space<vmem>>, vector<16xf32>,
      %gather3A_215 = tpu.vector_load_idx %arg7[%add3A_206, %get3A_48] : memref<128x128xf32, #tpu.memory_space<vmem>>[vector<16xi32>, vector<16xi32>], vector<16xf32>,
      %add3A_216 = arith.addf %gather3A_215, %get3A_214 : vector<16xf32>
      tpu.vector_store_idx %arg7[%add3A_206, %get3A_48], %add3A_216 : memref<128x128xf32, #tpu.memory_space<vmem>>[vector<16xi32>, vector<16xi32>], vector<16xf32>,
    }
    %scan3A_80 = arith.constant 32 : i32
    %add3A_81 = arith.constant 128 : i32
    %add3A_82 = arith.addi %mul3A_2, %add3A_81 : i32
    %dma_start3A_83 = arith.constant 0 : i32
    %dma_start3A_84 = tpu.memref_slice %arg5[%add3A_82, %dma_start3A_83] : memref<16384x128xf32, #tpu.memory_space<hbm>> -> memref<128x128xf32, #tpu.memory_space<hbm>>
    %dma_start3A_85 = arith.constant 0 : i32
    %dma_start3A_86 = tpu.memref_slice %arg5[%add3A_82, %dma_start3A_85] : memref<16384x128xf32, #tpu.memory_space<hbm>> -> memref<128x128xf32, #tpu.memory_space<hbm>>
    tpu.enqueue_dma source(%arg7 : memref<128x128xf32, #tpu.memory_space<vmem>>) target(%dma_start3A_86 : memref<128x128xf32, #tpu.memory_space<hbm>>) target_semaphore(%arg19 : memref<!tpu.dma_semaphore, #tpu.memory_space<semaphore_mem>>)
    %dma_wait3A_87 = arith.constant 0 : i32
    %dma_wait3A_88 = tpu.memref_slice %arg5[%add3A_62, %dma_wait3A_87] : memref<16384x128xf32, #tpu.memory_space<hbm>> -> memref<128x128xf32, #tpu.memory_space<hbm>>
    %dma_wait3A_89 = arith.constant 0 : i32
    %dma_wait3A_90 = tpu.memref_slice %arg5[%add3A_62, %dma_wait3A_89] : memref<16384x128xf32, #tpu.memory_space<hbm>> -> memref<128x128xf32, #tpu.memory_space<hbm>>
    tpu.wait_dma2 semaphore(%arg19 : memref<!tpu.dma_semaphore, #tpu.memory_space<semaphore_mem>>) src(%arg6 : memref<128x128xf32, #tpu.memory_space<vmem>>) dst(%dma_wait3A_90 : memref<128x128xf32, #tpu.memory_space<hbm>>)
    %add3A_91 = arith.constant 384 : i32
    %add3A_92 = arith.addi %mul3A_2, %add3A_91 : i32
    %mul3A_93 = arith.constant 128 : i32
    %mul3A_94 = arith.muli %add3A, %mul3A_93 : i32
    %add3A_95 = arith.constant 96 : i32
    %add3A_96 = arith.addi %mul3A_94, %add3A_95 : i32
    %multiple_of3A_97 = tpu.assume_multiple %add3A_96, 8 : i32
    %dma_start3A_98 = arith.constant 0 : i32
    %dma_start3A_99 = tpu.memref_slice %arg2[%add3A_92, %dma_start3A_98] : memref<16384x128xf32, #tpu.memory_space<hbm>> -> memref<128x128xf32, #tpu.memory_space<hbm>>
    %dma_start3A_100 = arith.constant 0 : i32
    %dma_start3A_101 = tpu.memref_slice %arg2[%add3A_92, %dma_start3A_100] : memref<16384x128xf32, #tpu.memory_space<hbm>> -> memref<128x128xf32, #tpu.memory_space<hbm>>
    tpu.enqueue_dma source(%dma_start3A_101 : memref<128x128xf32, #tpu.memory_space<hbm>>) target(%arg6 : memref<128x128xf32, #tpu.memory_space<vmem>>) target_semaphore(%arg13 : memref<!tpu.dma_semaphore, #tpu.memory_space<semaphore_mem>>)
    %dma_start3A_102 = arith.constant 0 : i32
    %dma_start3A_103 = tpu.memref_slice %arg4[%multiple_of3A_97, %dma_start3A_102] : memref<4096x128xf32, #tpu.memory_space<hbm>> -> memref<32x128xf32, #tpu.memory_space<hbm>>
    %dma_start3A_104 = arith.constant 0 : i32
    %dma_start3A_105 = tpu.memref_slice %arg4[%multiple_of3A_97, %dma_start3A_104] : memref<4096x128xf32, #tpu.memory_space<hbm>> -> memref<32x128xf32, #tpu.memory_space<hbm>>
    tpu.enqueue_dma source(%dma_start3A_105 : memref<32x128xf32, #tpu.memory_space<hbm>>) target(%arg9 : memref<32x128xf32, #tpu.memory_space<vmem>>) target_semaphore(%arg16 : memref<!tpu.dma_semaphore, #tpu.memory_space<semaphore_mem>>)
    %dma_wait3A_106 = arith.constant 0 : i32
    %dma_wait3A_107 = tpu.memref_slice %arg2[%add3A_32, %dma_wait3A_106] : memref<16384x128xf32, #tpu.memory_space<hbm>> -> memref<128x128xf32, #tpu.memory_space<hbm>>
    %dma_wait3A_108 = arith.constant 0 : i32
    %dma_wait3A_109 = tpu.memref_slice %arg2[%add3A_32, %dma_wait3A_108] : memref<16384x128xf32, #tpu.memory_space<hbm>> -> memref<128x128xf32, #tpu.memory_space<hbm>>
    tpu.wait_dma2 semaphore(%arg15 : memref<!tpu.dma_semaphore, #tpu.memory_space<semaphore_mem>>) src(%dma_wait3A_109 : memref<128x128xf32, #tpu.memory_space<hbm>>) dst(%arg8 : memref<128x128xf32, #tpu.memory_space<vmem>>)
    %dma_wait3A_110 = arith.constant 0 : i32
    %dma_wait3A_111 = tpu.memref_slice %arg4[%multiple_of3A_37, %dma_wait3A_110] : memref<4096x128xf32, #tpu.memory_space<hbm>> -> memref<32x128xf32, #tpu.memory_space<hbm>>
    %dma_wait3A_112 = arith.constant 0 : i32
    %dma_wait3A_113 = tpu.memref_slice %arg4[%multiple_of3A_37, %dma_wait3A_112] : memref<4096x128xf32, #tpu.memory_space<hbm>> -> memref<32x128xf32, #tpu.memory_space<hbm>>
    tpu.wait_dma2 semaphore(%arg18 : memref<!tpu.dma_semaphore, #tpu.memory_space<semaphore_mem>>) src(%dma_wait3A_113 : memref<32x128xf32, #tpu.memory_space<hbm>>) dst(%arg11 : memref<32x128xf32, #tpu.memory_space<vmem>>)
    %scan3A_114 = arith.constant 0 : i32
    %scan3A_115 = arith.constant 0 : i32
    %scan3A_116 = arith.constant 32 : i32
    %scan3A_117 = arith.addi %scan3A_115, %scan3A_116 : i32
    %scan3A_118 = arith.constant 1 : i32
    scf.for %scan3A_158 = %scan3A_115 to %scan3A_117 step %scan3A_118  : i32 {
      %mul3A_159 = arith.constant 0 : i32
      %mul3A_160 = vector.broadcast %mul3A_159 : i32 to vector<16xi32>
      %mul3A_161 = arith.muli %iota3A, %mul3A_160 : vector<16xi32>
      %mul3A_162 = arith.constant 4 : i32
      %mul3A_163 = arith.muli %scan3A_158, %mul3A_162 : i32
      %add3A_164 = vector.broadcast %mul3A_163 : i32 to vector<16xi32>
      %add3A_165 = arith.addi %mul3A_161, %add3A_164 : vector<16xi32>
      %add3A_166 = arith.constant 0 : i32
      %add3A_167 = vector.broadcast %add3A_166 : i32 to vector<16xi32>
      %add3A_168 = arith.addi %add3A_165, %add3A_167 : vector<16xi32>
      %get3A_169 = arith.index_cast %scan3A_158 : i32 to index
      %get3A_170 = arith.constant 0 : index
      %get3A_171 = tpu.vector_load %arg11[%get3A_169, %get3A_170] {strides = array<i32>} : memref<32x128xf32, #tpu.memory_space<vmem>>, vector<16xf32>,
      %gather3A = tpu.vector_load_idx %arg8[%add3A_168, %get3A_46] : memref<128x128xf32, #tpu.memory_space<vmem>>[vector<16xi32>, vector<16xi32>], vector<16xf32>,
      %add3A_172 = arith.addf %gather3A, %get3A_171 : vector<16xf32>
      tpu.vector_store_idx %arg8[%add3A_168, %get3A_46], %add3A_172 : memref<128x128xf32, #tpu.memory_space<vmem>>[vector<16xi32>, vector<16xi32>], vector<16xf32>,
      %get3A_173 = arith.index_cast %scan3A_158 : i32 to index
      %get3A_174 = arith.constant 16 : index
      %get3A_175 = tpu.vector_load %arg11[%get3A_173, %get3A_174] {strides = array<i32>} : memref<32x128xf32, #tpu.memory_space<vmem>>, vector<16xf32>,
      %gather3A_176 = tpu.vector_load_idx %arg8[%add3A_168, %get3A_48] : memref<128x128xf32, #tpu.memory_space<vmem>>[vector<16xi32>, vector<16xi32>], vector<16xf32>,
      %add3A_177 = arith.addf %gather3A_176, %get3A_175 : vector<16xf32>
      tpu.vector_store_idx %arg8[%add3A_168, %get3A_48], %add3A_177 : memref<128x128xf32, #tpu.memory_space<vmem>>[vector<16xi32>, vector<16xi32>], vector<16xf32>,
      %add3A_178 = arith.constant 1 : i32
      %add3A_179 = vector.broadcast %add3A_178 : i32 to vector<16xi32>
      %add3A_180 = arith.addi %add3A_165, %add3A_179 : vector<16xi32>
      %get3A_181 = arith.index_cast %scan3A_158 : i32 to index
      %get3A_182 = arith.constant 32 : index
      %get3A_183 = tpu.vector_load %arg11[%get3A_181, %get3A_182] {strides = array<i32>} : memref<32x128xf32, #tpu.memory_space<vmem>>, vector<16xf32>,
      %gather3A_184 = tpu.vector_load_idx %arg8[%add3A_180, %get3A_46] : memref<128x128xf32, #tpu.memory_space<vmem>>[vector<16xi32>, vector<16xi32>], vector<16xf32>,
      %add3A_185 = arith.addf %gather3A_184, %get3A_183 : vector<16xf32>
      tpu.vector_store_idx %arg8[%add3A_180, %get3A_46], %add3A_185 : memref<128x128xf32, #tpu.memory_space<vmem>>[vector<16xi32>, vector<16xi32>], vector<16xf32>,
      %get3A_186 = arith.index_cast %scan3A_158 : i32 to index
      %get3A_187 = arith.constant 48 : index
      %get3A_188 = tpu.vector_load %arg11[%get3A_186, %get3A_187] {strides = array<i32>} : memref<32x128xf32, #tpu.memory_space<vmem>>, vector<16xf32>,
      %gather3A_189 = tpu.vector_load_idx %arg8[%add3A_180, %get3A_48] : memref<128x128xf32, #tpu.memory_space<vmem>>[vector<16xi32>, vector<16xi32>], vector<16xf32>,
      %add3A_190 = arith.addf %gather3A_189, %get3A_188 : vector<16xf32>
      tpu.vector_store_idx %arg8[%add3A_180, %get3A_48], %add3A_190 : memref<128x128xf32, #tpu.memory_space<vmem>>[vector<16xi32>, vector<16xi32>], vector<16xf32>,
      %add3A_191 = arith.constant 2 : i32
      %add3A_192 = vector.broadcast %add3A_191 : i32 to vector<16xi32>
      %add3A_193 = arith.addi %add3A_165, %add3A_192 : vector<16xi32>
      %get3A_194 = arith.index_cast %scan3A_158 : i32 to index
      %get3A_195 = arith.constant 64 : index
      %get3A_196 = tpu.vector_load %arg11[%get3A_194, %get3A_195] {strides = array<i32>} : memref<32x128xf32, #tpu.memory_space<vmem>>, vector<16xf32>,
      %gather3A_197 = tpu.vector_load_idx %arg8[%add3A_193, %get3A_46] : memref<128x128xf32, #tpu.memory_space<vmem>>[vector<16xi32>, vector<16xi32>], vector<16xf32>,
      %add3A_198 = arith.addf %gather3A_197, %get3A_196 : vector<16xf32>
      tpu.vector_store_idx %arg8[%add3A_193, %get3A_46], %add3A_198 : memref<128x128xf32, #tpu.memory_space<vmem>>[vector<16xi32>, vector<16xi32>], vector<16xf32>,
      %get3A_199 = arith.index_cast %scan3A_158 : i32 to index
      %get3A_200 = arith.constant 80 : index
      %get3A_201 = tpu.vector_load %arg11[%get3A_199, %get3A_200] {strides = array<i32>} : memref<32x128xf32, #tpu.memory_space<vmem>>, vector<16xf32>,
      %gather3A_202 = tpu.vector_load_idx %arg8[%add3A_193, %get3A_48] : memref<128x128xf32, #tpu.memory_space<vmem>>[vector<16xi32>, vector<16xi32>], vector<16xf32>,
      %add3A_203 = arith.addf %gather3A_202, %get3A_201 : vector<16xf32>
      tpu.vector_store_idx %arg8[%add3A_193, %get3A_48], %add3A_203 : memref<128x128xf32, #tpu.memory_space<vmem>>[vector<16xi32>, vector<16xi32>], vector<16xf32>,
      %add3A_204 = arith.constant 3 : i32
      %add3A_205 = vector.broadcast %add3A_204 : i32 to vector<16xi32>
      %add3A_206 = arith.addi %add3A_165, %add3A_205 : vector<16xi32>
      %get3A_207 = arith.index_cast %scan3A_158 : i32 to index
      %get3A_208 = arith.constant 96 : index
      %get3A_209 = tpu.vector_load %arg11[%get3A_207, %get3A_208] {strides = array<i32>} : memref<32x128xf32, #tpu.memory_space<vmem>>, vector<16xf32>,
      %gather3A_210 = tpu.vector_load_idx %arg8[%add3A_206, %get3A_46] : memref<128x128xf32, #tpu.memory_space<vmem>>[vector<16xi32>, vector<16xi32>], vector<16xf32>,
      %add3A_211 = arith.addf %gather3A_210, %get3A_209 : vector<16xf32>
      tpu.vector_store_idx %arg8[%add3A_206, %get3A_46], %add3A_211 : memref<128x128xf32, #tpu.memory_space<vmem>>[vector<16xi32>, vector<16xi32>], vector<16xf32>,
      %get3A_212 = arith.index_cast %scan3A_158 : i32 to index
      %get3A_213 = arith.constant 112 : index
      %get3A_214 = tpu.vector_load %arg11[%get3A_212, %get3A_213] {strides = array<i32>} : memref<32x128xf32, #tpu.memory_space<vmem>>, vector<16xf32>,
      %gather3A_215 = tpu.vector_load_idx %arg8[%add3A_206, %get3A_48] : memref<128x128xf32, #tpu.memory_space<vmem>>[vector<16xi32>, vector<16xi32>], vector<16xf32>,
      %add3A_216 = arith.addf %gather3A_215, %get3A_214 : vector<16xf32>
      tpu.vector_store_idx %arg8[%add3A_206, %get3A_48], %add3A_216 : memref<128x128xf32, #tpu.memory_space<vmem>>[vector<16xi32>, vector<16xi32>], vector<16xf32>,
    }
    %scan3A_119 = arith.constant 32 : i32
    %add3A_120 = arith.constant 256 : i32
    %add3A_121 = arith.addi %mul3A_2, %add3A_120 : i32
    %dma_start3A_122 = arith.constant 0 : i32
    %dma_start3A_123 = tpu.memref_slice %arg5[%add3A_121, %dma_start3A_122] : memref<16384x128xf32, #tpu.memory_space<hbm>> -> memref<128x128xf32, #tpu.memory_space<hbm>>
    %dma_start3A_124 = arith.constant 0 : i32
    %dma_start3A_125 = tpu.memref_slice %arg5[%add3A_121, %dma_start3A_124] : memref<16384x128xf32, #tpu.memory_space<hbm>> -> memref<128x128xf32, #tpu.memory_space<hbm>>
    tpu.enqueue_dma source(%arg8 : memref<128x128xf32, #tpu.memory_space<vmem>>) target(%dma_start3A_125 : memref<128x128xf32, #tpu.memory_space<hbm>>) target_semaphore(%arg19 : memref<!tpu.dma_semaphore, #tpu.memory_space<semaphore_mem>>)
    %dma_wait3A_126 = arith.constant 0 : i32
    %dma_wait3A_127 = tpu.memref_slice %arg2[%add3A_92, %dma_wait3A_126] : memref<16384x128xf32, #tpu.memory_space<hbm>> -> memref<128x128xf32, #tpu.memory_space<hbm>>
    %dma_wait3A_128 = arith.constant 0 : i32
    %dma_wait3A_129 = tpu.memref_slice %arg2[%add3A_92, %dma_wait3A_128] : memref<16384x128xf32, #tpu.memory_space<hbm>> -> memref<128x128xf32, #tpu.memory_space<hbm>>
    tpu.wait_dma2 semaphore(%arg13 : memref<!tpu.dma_semaphore, #tpu.memory_space<semaphore_mem>>) src(%dma_wait3A_129 : memref<128x128xf32, #tpu.memory_space<hbm>>) dst(%arg6 : memref<128x128xf32, #tpu.memory_space<vmem>>)
    %dma_wait3A_130 = arith.constant 0 : i32
    %dma_wait3A_131 = tpu.memref_slice %arg4[%multiple_of3A_97, %dma_wait3A_130] : memref<4096x128xf32, #tpu.memory_space<hbm>> -> memref<32x128xf32, #tpu.memory_space<hbm>>
    %dma_wait3A_132 = arith.constant 0 : i32
    %dma_wait3A_133 = tpu.memref_slice %arg4[%multiple_of3A_97, %dma_wait3A_132] : memref<4096x128xf32, #tpu.memory_space<hbm>> -> memref<32x128xf32, #tpu.memory_space<hbm>>
    tpu.wait_dma2 semaphore(%arg16 : memref<!tpu.dma_semaphore, #tpu.memory_space<semaphore_mem>>) src(%dma_wait3A_133 : memref<32x128xf32, #tpu.memory_space<hbm>>) dst(%arg9 : memref<32x128xf32, #tpu.memory_space<vmem>>)
    %scan3A_134 = arith.constant 0 : i32
    %scan3A_135 = arith.constant 0 : i32
    %scan3A_136 = arith.constant 32 : i32
    %scan3A_137 = arith.addi %scan3A_135, %scan3A_136 : i32
    %scan3A_138 = arith.constant 1 : i32
    scf.for %scan3A_158 = %scan3A_135 to %scan3A_137 step %scan3A_138  : i32 {
      %mul3A_159 = arith.constant 0 : i32
      %mul3A_160 = vector.broadcast %mul3A_159 : i32 to vector<16xi32>
      %mul3A_161 = arith.muli %iota3A, %mul3A_160 : vector<16xi32>
      %mul3A_162 = arith.constant 4 : i32
      %mul3A_163 = arith.muli %scan3A_158, %mul3A_162 : i32
      %add3A_164 = vector.broadcast %mul3A_163 : i32 to vector<16xi32>
      %add3A_165 = arith.addi %mul3A_161, %add3A_164 : vector<16xi32>
      %add3A_166 = arith.constant 0 : i32
      %add3A_167 = vector.broadcast %add3A_166 : i32 to vector<16xi32>
      %add3A_168 = arith.addi %add3A_165, %add3A_167 : vector<16xi32>
      %get3A_169 = arith.index_cast %scan3A_158 : i32 to index
      %get3A_170 = arith.constant 0 : index
      %get3A_171 = tpu.vector_load %arg9[%get3A_169, %get3A_170] {strides = array<i32>} : memref<32x128xf32, #tpu.memory_space<vmem>>, vector<16xf32>,
      %gather3A = tpu.vector_load_idx %arg6[%add3A_168, %get3A_46] : memref<128x128xf32, #tpu.memory_space<vmem>>[vector<16xi32>, vector<16xi32>], vector<16xf32>,
      %add3A_172 = arith.addf %gather3A, %get3A_171 : vector<16xf32>
      tpu.vector_store_idx %arg6[%add3A_168, %get3A_46], %add3A_172 : memref<128x128xf32, #tpu.memory_space<vmem>>[vector<16xi32>, vector<16xi32>], vector<16xf32>,
      %get3A_173 = arith.index_cast %scan3A_158 : i32 to index
      %get3A_174 = arith.constant 16 : index
      %get3A_175 = tpu.vector_load %arg9[%get3A_173, %get3A_174] {strides = array<i32>} : memref<32x128xf32, #tpu.memory_space<vmem>>, vector<16xf32>,
      %gather3A_176 = tpu.vector_load_idx %arg6[%add3A_168, %get3A_48] : memref<128x128xf32, #tpu.memory_space<vmem>>[vector<16xi32>, vector<16xi32>], vector<16xf32>,
      %add3A_177 = arith.addf %gather3A_176, %get3A_175 : vector<16xf32>
      tpu.vector_store_idx %arg6[%add3A_168, %get3A_48], %add3A_177 : memref<128x128xf32, #tpu.memory_space<vmem>>[vector<16xi32>, vector<16xi32>], vector<16xf32>,
      %add3A_178 = arith.constant 1 : i32
      %add3A_179 = vector.broadcast %add3A_178 : i32 to vector<16xi32>
      %add3A_180 = arith.addi %add3A_165, %add3A_179 : vector<16xi32>
      %get3A_181 = arith.index_cast %scan3A_158 : i32 to index
      %get3A_182 = arith.constant 32 : index
      %get3A_183 = tpu.vector_load %arg9[%get3A_181, %get3A_182] {strides = array<i32>} : memref<32x128xf32, #tpu.memory_space<vmem>>, vector<16xf32>,
      %gather3A_184 = tpu.vector_load_idx %arg6[%add3A_180, %get3A_46] : memref<128x128xf32, #tpu.memory_space<vmem>>[vector<16xi32>, vector<16xi32>], vector<16xf32>,
      %add3A_185 = arith.addf %gather3A_184, %get3A_183 : vector<16xf32>
      tpu.vector_store_idx %arg6[%add3A_180, %get3A_46], %add3A_185 : memref<128x128xf32, #tpu.memory_space<vmem>>[vector<16xi32>, vector<16xi32>], vector<16xf32>,
      %get3A_186 = arith.index_cast %scan3A_158 : i32 to index
      %get3A_187 = arith.constant 48 : index
      %get3A_188 = tpu.vector_load %arg9[%get3A_186, %get3A_187] {strides = array<i32>} : memref<32x128xf32, #tpu.memory_space<vmem>>, vector<16xf32>,
      %gather3A_189 = tpu.vector_load_idx %arg6[%add3A_180, %get3A_48] : memref<128x128xf32, #tpu.memory_space<vmem>>[vector<16xi32>, vector<16xi32>], vector<16xf32>,
      %add3A_190 = arith.addf %gather3A_189, %get3A_188 : vector<16xf32>
      tpu.vector_store_idx %arg6[%add3A_180, %get3A_48], %add3A_190 : memref<128x128xf32, #tpu.memory_space<vmem>>[vector<16xi32>, vector<16xi32>], vector<16xf32>,
      %add3A_191 = arith.constant 2 : i32
      %add3A_192 = vector.broadcast %add3A_191 : i32 to vector<16xi32>
      %add3A_193 = arith.addi %add3A_165, %add3A_192 : vector<16xi32>
      %get3A_194 = arith.index_cast %scan3A_158 : i32 to index
      %get3A_195 = arith.constant 64 : index
      %get3A_196 = tpu.vector_load %arg9[%get3A_194, %get3A_195] {strides = array<i32>} : memref<32x128xf32, #tpu.memory_space<vmem>>, vector<16xf32>,
      %gather3A_197 = tpu.vector_load_idx %arg6[%add3A_193, %get3A_46] : memref<128x128xf32, #tpu.memory_space<vmem>>[vector<16xi32>, vector<16xi32>], vector<16xf32>,
      %add3A_198 = arith.addf %gather3A_197, %get3A_196 : vector<16xf32>
      tpu.vector_store_idx %arg6[%add3A_193, %get3A_46], %add3A_198 : memref<128x128xf32, #tpu.memory_space<vmem>>[vector<16xi32>, vector<16xi32>], vector<16xf32>,
      %get3A_199 = arith.index_cast %scan3A_158 : i32 to index
      %get3A_200 = arith.constant 80 : index
      %get3A_201 = tpu.vector_load %arg9[%get3A_199, %get3A_200] {strides = array<i32>} : memref<32x128xf32, #tpu.memory_space<vmem>>, vector<16xf32>,
      %gather3A_202 = tpu.vector_load_idx %arg6[%add3A_193, %get3A_48] : memref<128x128xf32, #tpu.memory_space<vmem>>[vector<16xi32>, vector<16xi32>], vector<16xf32>,
      %add3A_203 = arith.addf %gather3A_202, %get3A_201 : vector<16xf32>
      tpu.vector_store_idx %arg6[%add3A_193, %get3A_48], %add3A_203 : memref<128x128xf32, #tpu.memory_space<vmem>>[vector<16xi32>, vector<16xi32>], vector<16xf32>,
      %add3A_204 = arith.constant 3 : i32
      %add3A_205 = vector.broadcast %add3A_204 : i32 to vector<16xi32>
      %add3A_206 = arith.addi %add3A_165, %add3A_205 : vector<16xi32>
      %get3A_207 = arith.index_cast %scan3A_158 : i32 to index
      %get3A_208 = arith.constant 96 : index
      %get3A_209 = tpu.vector_load %arg9[%get3A_207, %get3A_208] {strides = array<i32>} : memref<32x128xf32, #tpu.memory_space<vmem>>, vector<16xf32>,
      %gather3A_210 = tpu.vector_load_idx %arg6[%add3A_206, %get3A_46] : memref<128x128xf32, #tpu.memory_space<vmem>>[vector<16xi32>, vector<16xi32>], vector<16xf32>,
      %add3A_211 = arith.addf %gather3A_210, %get3A_209 : vector<16xf32>
      tpu.vector_store_idx %arg6[%add3A_206, %get3A_46], %add3A_211 : memref<128x128xf32, #tpu.memory_space<vmem>>[vector<16xi32>, vector<16xi32>], vector<16xf32>,
      %get3A_212 = arith.index_cast %scan3A_158 : i32 to index
      %get3A_213 = arith.constant 112 : index
      %get3A_214 = tpu.vector_load %arg9[%get3A_212, %get3A_213] {strides = array<i32>} : memref<32x128xf32, #tpu.memory_space<vmem>>, vector<16xf32>,
      %gather3A_215 = tpu.vector_load_idx %arg6[%add3A_206, %get3A_48] : memref<128x128xf32, #tpu.memory_space<vmem>>[vector<16xi32>, vector<16xi32>], vector<16xf32>,
      %add3A_216 = arith.addf %gather3A_215, %get3A_214 : vector<16xf32>
      tpu.vector_store_idx %arg6[%add3A_206, %get3A_48], %add3A_216 : memref<128x128xf32, #tpu.memory_space<vmem>>[vector<16xi32>, vector<16xi32>], vector<16xf32>,
    }
    %scan3A_139 = arith.constant 32 : i32
    %add3A_140 = arith.constant 384 : i32
    %add3A_141 = arith.addi %mul3A_2, %add3A_140 : i32
    %dma_start3A_142 = arith.constant 0 : i32
    %dma_start3A_143 = tpu.memref_slice %arg5[%add3A_141, %dma_start3A_142] : memref<16384x128xf32, #tpu.memory_space<hbm>> -> memref<128x128xf32, #tpu.memory_space<hbm>>
    %dma_start3A_144 = arith.constant 0 : i32
    %dma_start3A_145 = tpu.memref_slice %arg5[%add3A_141, %dma_start3A_144] : memref<16384x128xf32, #tpu.memory_space<hbm>> -> memref<128x128xf32, #tpu.memory_space<hbm>>
    tpu.enqueue_dma source(%arg6 : memref<128x128xf32, #tpu.memory_space<vmem>>) target(%dma_start3A_145 : memref<128x128xf32, #tpu.memory_space<hbm>>) target_semaphore(%arg19 : memref<!tpu.dma_semaphore, #tpu.memory_space<semaphore_mem>>)
    %dma_wait3A_146 = arith.constant 0 : i32
    %dma_wait3A_147 = tpu.memref_slice %arg5[%add3A_82, %dma_wait3A_146] : memref<16384x128xf32, #tpu.memory_space<hbm>> -> memref<128x128xf32, #tpu.memory_space<hbm>>
    %dma_wait3A_148 = arith.constant 0 : i32
    %dma_wait3A_149 = tpu.memref_slice %arg5[%add3A_82, %dma_wait3A_148] : memref<16384x128xf32, #tpu.memory_space<hbm>> -> memref<128x128xf32, #tpu.memory_space<hbm>>
    tpu.wait_dma2 semaphore(%arg19 : memref<!tpu.dma_semaphore, #tpu.memory_space<semaphore_mem>>) src(%arg7 : memref<128x128xf32, #tpu.memory_space<vmem>>) dst(%dma_wait3A_149 : memref<128x128xf32, #tpu.memory_space<hbm>>)
    %dma_wait3A_150 = arith.constant 0 : i32
    %dma_wait3A_151 = tpu.memref_slice %arg5[%add3A_121, %dma_wait3A_150] : memref<16384x128xf32, #tpu.memory_space<hbm>> -> memref<128x128xf32, #tpu.memory_space<hbm>>
    %dma_wait3A_152 = arith.constant 0 : i32
    %dma_wait3A_153 = tpu.memref_slice %arg5[%add3A_121, %dma_wait3A_152] : memref<16384x128xf32, #tpu.memory_space<hbm>> -> memref<128x128xf32, #tpu.memory_space<hbm>>
    tpu.wait_dma2 semaphore(%arg19 : memref<!tpu.dma_semaphore, #tpu.memory_space<semaphore_mem>>) src(%arg8 : memref<128x128xf32, #tpu.memory_space<vmem>>) dst(%dma_wait3A_153 : memref<128x128xf32, #tpu.memory_space<hbm>>)
    %dma_wait3A_154 = arith.constant 0 : i32
    %dma_wait3A_155 = tpu.memref_slice %arg5[%add3A_141, %dma_wait3A_154] : memref<16384x128xf32, #tpu.memory_space<hbm>> -> memref<128x128xf32, #tpu.memory_space<hbm>>
    %dma_wait3A_156 = arith.constant 0 : i32
    %dma_wait3A_157 = tpu.memref_slice %arg5[%add3A_141, %dma_wait3A_156] : memref<16384x128xf32, #tpu.memory_space<hbm>> -> memref<128x128xf32, #tpu.memory_space<hbm>>
    tpu.wait_dma2 semaphore(%arg19 : memref<!tpu.dma_semaphore, #tpu.memory_space<semaphore_mem>>) src(%arg6 : memref<128x128xf32, #tpu.memory_space<vmem>>) dst(%dma_wait3A_157 : memref<128x128xf32, #tpu.memory_space<hbm>>)
    return
  }
}

module attributes {stable_mosaic.version = 14 : i64} {
  func.func @_tc_noise_body(%arg0: i32, %arg1: memref<1x128xf32, #tpu.memory_space<vmem>>, %arg2: memref<1024x128xf32, #tpu.memory_space<vmem>>) attributes {dimension_semantics = [#tpu.dimension_semantics<arbitrary>], iteration_bounds = array<i64: 4>, scalar_prefetch = 0 : i64, scratch_operands = 0 : i64, tpu.core_type = #tpu.core_type<tc>, window_params = [{pipeline_mode = #tpu.pipeline_mode<synchronous>, transform_indices = @transform_0, window_bounds = array<i64: 1, 128>}, {transform_indices = @transform_1, window_bounds = array<i64: 1024, 128>}]} {
    %mul3A = arith.constant 131072 : i32
    %mul3A_0 = arith.muli %arg0, %mul3A : i32
    %iota3A = tpu.iota {dimensions = array<i32: 0>} : vector<1024x128xi32>
    %mul3A_1 = arith.constant 128 : i32
    %mul3A_2 = vector.broadcast %mul3A_1 : i32 to vector<1024x128xi32>
    %mul3A_3 = arith.muli %iota3A, %mul3A_2 : vector<1024x128xi32>
    %iota3A_4 = tpu.iota {dimensions = array<i32: 1>} : vector<1024x128xi32>
    %add3A = arith.addi %mul3A_3, %iota3A_4 : vector<1024x128xi32>
    %add3A_5 = vector.broadcast %mul3A_0 : i32 to vector<1024x128xi32>
    %add3A_6 = arith.addi %add3A, %add3A_5 : vector<1024x128xi32>
    %xor3A = arith.xori %add3A_6, %add3A_6 : vector<1024x128xi32>
    %add3A_7 = arith.constant 1 : i32
    %add3A_8 = vector.broadcast %add3A_7 : i32 to vector<1024x128xi32>
    %add3A_9 = arith.addi %add3A_6, %add3A_8 : vector<1024x128xi32>
    %add3A_10 = arith.addi %xor3A, %add3A_9 : vector<1024x128xi32>
    %shift_left3A = arith.constant 13 : i32
    %shift_left3A_11 = vector.broadcast %shift_left3A : i32 to vector<1024x128xi32>
    %shift_left3A_12 = arith.shli %add3A_9, %shift_left3A_11 : vector<1024x128xi32>
    %shift_right_logical3A = arith.constant 19 : i32
    %shift_right_logical3A_13 = vector.broadcast %shift_right_logical3A : i32 to vector<1024x128xi32>
    %shift_right_logical3A_14 = arith.shrui %add3A_9, %shift_right_logical3A_13 : vector<1024x128xi32>
    %or3A = arith.ori %shift_left3A_12, %shift_right_logical3A_14 : vector<1024x128xi32>
    %xor3A_15 = arith.xori %add3A_10, %or3A : vector<1024x128xi32>
    %add3A_16 = arith.addi %add3A_10, %xor3A_15 : vector<1024x128xi32>
    %shift_left3A_17 = arith.constant 15 : i32
    %shift_left3A_18 = vector.broadcast %shift_left3A_17 : i32 to vector<1024x128xi32>
    %shift_left3A_19 = arith.shli %xor3A_15, %shift_left3A_18 : vector<1024x128xi32>
    %shift_right_logical3A_20 = arith.constant 17 : i32
    %shift_right_logical3A_21 = vector.broadcast %shift_right_logical3A_20 : i32 to vector<1024x128xi32>
    %shift_right_logical3A_22 = arith.shrui %xor3A_15, %shift_right_logical3A_21 : vector<1024x128xi32>
    %or3A_23 = arith.ori %shift_left3A_19, %shift_right_logical3A_22 : vector<1024x128xi32>
    %xor3A_24 = arith.xori %add3A_16, %or3A_23 : vector<1024x128xi32>
    %add3A_25 = arith.addi %add3A_16, %xor3A_24 : vector<1024x128xi32>
    %shift_left3A_26 = arith.constant 26 : i32
    %shift_left3A_27 = vector.broadcast %shift_left3A_26 : i32 to vector<1024x128xi32>
    %shift_left3A_28 = arith.shli %xor3A_24, %shift_left3A_27 : vector<1024x128xi32>
    %shift_right_logical3A_29 = arith.constant 6 : i32
    %shift_right_logical3A_30 = vector.broadcast %shift_right_logical3A_29 : i32 to vector<1024x128xi32>
    %shift_right_logical3A_31 = arith.shrui %xor3A_24, %shift_right_logical3A_30 : vector<1024x128xi32>
    %or3A_32 = arith.ori %shift_left3A_28, %shift_right_logical3A_31 : vector<1024x128xi32>
    %xor3A_33 = arith.xori %add3A_25, %or3A_32 : vector<1024x128xi32>
    %add3A_34 = arith.addi %add3A_25, %xor3A_33 : vector<1024x128xi32>
    %shift_left3A_35 = arith.constant 6 : i32
    %shift_left3A_36 = vector.broadcast %shift_left3A_35 : i32 to vector<1024x128xi32>
    %shift_left3A_37 = arith.shli %xor3A_33, %shift_left3A_36 : vector<1024x128xi32>
    %shift_right_logical3A_38 = arith.constant 26 : i32
    %shift_right_logical3A_39 = vector.broadcast %shift_right_logical3A_38 : i32 to vector<1024x128xi32>
    %shift_right_logical3A_40 = arith.shrui %xor3A_33, %shift_right_logical3A_39 : vector<1024x128xi32>
    %or3A_41 = arith.ori %shift_left3A_37, %shift_right_logical3A_40 : vector<1024x128xi32>
    %xor3A_42 = arith.xori %add3A_34, %or3A_41 : vector<1024x128xi32>
    %add3A_43 = arith.constant 1 : i32
    %add3A_44 = vector.broadcast %add3A_43 : i32 to vector<1024x128xi32>
    %add3A_45 = arith.addi %add3A_34, %add3A_44 : vector<1024x128xi32>
    %add3A_46 = arith.constant 466688988 : i32
    %add3A_47 = vector.broadcast %add3A_46 : i32 to vector<1024x128xi32>
    %add3A_48 = arith.addi %xor3A_42, %add3A_47 : vector<1024x128xi32>
    %add3A_49 = arith.addi %add3A_45, %add3A_48 : vector<1024x128xi32>
    %shift_left3A_50 = arith.constant 17 : i32
    %shift_left3A_51 = vector.broadcast %shift_left3A_50 : i32 to vector<1024x128xi32>
    %shift_left3A_52 = arith.shli %add3A_48, %shift_left3A_51 : vector<1024x128xi32>
    %shift_right_logical3A_53 = arith.constant 15 : i32
    %shift_right_logical3A_54 = vector.broadcast %shift_right_logical3A_53 : i32 to vector<1024x128xi32>
    %shift_right_logical3A_55 = arith.shrui %add3A_48, %shift_right_logical3A_54 : vector<1024x128xi32>
    %or3A_56 = arith.ori %shift_left3A_52, %shift_right_logical3A_55 : vector<1024x128xi32>
    %xor3A_57 = arith.xori %add3A_49, %or3A_56 : vector<1024x128xi32>
    %add3A_58 = arith.addi %add3A_49, %xor3A_57 : vector<1024x128xi32>
    %shift_left3A_59 = arith.constant 29 : i32
    %shift_left3A_60 = vector.broadcast %shift_left3A_59 : i32 to vector<1024x128xi32>
    %shift_left3A_61 = arith.shli %xor3A_57, %shift_left3A_60 : vector<1024x128xi32>
    %shift_right_logical3A_62 = arith.constant 3 : i32
    %shift_right_logical3A_63 = vector.broadcast %shift_right_logical3A_62 : i32 to vector<1024x128xi32>
    %shift_right_logical3A_64 = arith.shrui %xor3A_57, %shift_right_logical3A_63 : vector<1024x128xi32>
    %or3A_65 = arith.ori %shift_left3A_61, %shift_right_logical3A_64 : vector<1024x128xi32>
    %xor3A_66 = arith.xori %add3A_58, %or3A_65 : vector<1024x128xi32>
    %add3A_67 = arith.addi %add3A_58, %xor3A_66 : vector<1024x128xi32>
    %shift_left3A_68 = arith.constant 16 : i32
    %shift_left3A_69 = vector.broadcast %shift_left3A_68 : i32 to vector<1024x128xi32>
    %shift_left3A_70 = arith.shli %xor3A_66, %shift_left3A_69 : vector<1024x128xi32>
    %shift_right_logical3A_71 = arith.constant 16 : i32
    %shift_right_logical3A_72 = vector.broadcast %shift_right_logical3A_71 : i32 to vector<1024x128xi32>
    %shift_right_logical3A_73 = arith.shrui %xor3A_66, %shift_right_logical3A_72 : vector<1024x128xi32>
    %or3A_74 = arith.ori %shift_left3A_70, %shift_right_logical3A_73 : vector<1024x128xi32>
    %xor3A_75 = arith.xori %add3A_67, %or3A_74 : vector<1024x128xi32>
    %add3A_76 = arith.addi %add3A_67, %xor3A_75 : vector<1024x128xi32>
    %shift_left3A_77 = arith.constant 24 : i32
    %shift_left3A_78 = vector.broadcast %shift_left3A_77 : i32 to vector<1024x128xi32>
    %shift_left3A_79 = arith.shli %xor3A_75, %shift_left3A_78 : vector<1024x128xi32>
    %shift_right_logical3A_80 = arith.constant 8 : i32
    %shift_right_logical3A_81 = vector.broadcast %shift_right_logical3A_80 : i32 to vector<1024x128xi32>
    %shift_right_logical3A_82 = arith.shrui %xor3A_75, %shift_right_logical3A_81 : vector<1024x128xi32>
    %or3A_83 = arith.ori %shift_left3A_79, %shift_right_logical3A_82 : vector<1024x128xi32>
    %xor3A_84 = arith.xori %add3A_76, %or3A_83 : vector<1024x128xi32>
    %add3A_85 = arith.constant 466688987 : i32
    %add3A_86 = vector.broadcast %add3A_85 : i32 to vector<1024x128xi32>
    %add3A_87 = arith.addi %add3A_76, %add3A_86 : vector<1024x128xi32>
    %add3A_88 = arith.constant 2 : i32
    %add3A_89 = vector.broadcast %add3A_88 : i32 to vector<1024x128xi32>
    %add3A_90 = arith.addi %xor3A_84, %add3A_89 : vector<1024x128xi32>
    %add3A_91 = arith.addi %add3A_87, %add3A_90 : vector<1024x128xi32>
    %shift_left3A_92 = arith.constant 13 : i32
    %shift_left3A_93 = vector.broadcast %shift_left3A_92 : i32 to vector<1024x128xi32>
    %shift_left3A_94 = arith.shli %add3A_90, %shift_left3A_93 : vector<1024x128xi32>
    %shift_right_logical3A_95 = arith.constant 19 : i32
    %shift_right_logical3A_96 = vector.broadcast %shift_right_logical3A_95 : i32 to vector<1024x128xi32>
    %shift_right_logical3A_97 = arith.shrui %add3A_90, %shift_right_logical3A_96 : vector<1024x128xi32>
    %or3A_98 = arith.ori %shift_left3A_94, %shift_right_logical3A_97 : vector<1024x128xi32>
    %xor3A_99 = arith.xori %add3A_91, %or3A_98 : vector<1024x128xi32>
    %add3A_100 = arith.addi %add3A_91, %xor3A_99 : vector<1024x128xi32>
    %shift_left3A_101 = arith.constant 15 : i32
    %shift_left3A_102 = vector.broadcast %shift_left3A_101 : i32 to vector<1024x128xi32>
    %shift_left3A_103 = arith.shli %xor3A_99, %shift_left3A_102 : vector<1024x128xi32>
    %shift_right_logical3A_104 = arith.constant 17 : i32
    %shift_right_logical3A_105 = vector.broadcast %shift_right_logical3A_104 : i32 to vector<1024x128xi32>
    %shift_right_logical3A_106 = arith.shrui %xor3A_99, %shift_right_logical3A_105 : vector<1024x128xi32>
    %or3A_107 = arith.ori %shift_left3A_103, %shift_right_logical3A_106 : vector<1024x128xi32>
    %xor3A_108 = arith.xori %add3A_100, %or3A_107 : vector<1024x128xi32>
    %add3A_109 = arith.addi %add3A_100, %xor3A_108 : vector<1024x128xi32>
    %shift_left3A_110 = arith.constant 26 : i32
    %shift_left3A_111 = vector.broadcast %shift_left3A_110 : i32 to vector<1024x128xi32>
    %shift_left3A_112 = arith.shli %xor3A_108, %shift_left3A_111 : vector<1024x128xi32>
    %shift_right_logical3A_113 = arith.constant 6 : i32
    %shift_right_logical3A_114 = vector.broadcast %shift_right_logical3A_113 : i32 to vector<1024x128xi32>
    %shift_right_logical3A_115 = arith.shrui %xor3A_108, %shift_right_logical3A_114 : vector<1024x128xi32>
    %or3A_116 = arith.ori %shift_left3A_112, %shift_right_logical3A_115 : vector<1024x128xi32>
    %xor3A_117 = arith.xori %add3A_109, %or3A_116 : vector<1024x128xi32>
    %add3A_118 = arith.addi %add3A_109, %xor3A_117 : vector<1024x128xi32>
    %shift_left3A_119 = arith.constant 6 : i32
    %shift_left3A_120 = vector.broadcast %shift_left3A_119 : i32 to vector<1024x128xi32>
    %shift_left3A_121 = arith.shli %xor3A_117, %shift_left3A_120 : vector<1024x128xi32>
    %shift_right_logical3A_122 = arith.constant 26 : i32
    %shift_right_logical3A_123 = vector.broadcast %shift_right_logical3A_122 : i32 to vector<1024x128xi32>
    %shift_right_logical3A_124 = arith.shrui %xor3A_117, %shift_right_logical3A_123 : vector<1024x128xi32>
    %or3A_125 = arith.ori %shift_left3A_121, %shift_right_logical3A_124 : vector<1024x128xi32>
    %xor3A_126 = arith.xori %add3A_118, %or3A_125 : vector<1024x128xi32>
    %add3A_127 = arith.constant 0 : i32
    %add3A_128 = vector.broadcast %add3A_127 : i32 to vector<1024x128xi32>
    %add3A_129 = arith.addi %add3A_118, %add3A_128 : vector<1024x128xi32>
    %add3A_130 = arith.constant 4 : i32
    %add3A_131 = vector.broadcast %add3A_130 : i32 to vector<1024x128xi32>
    %add3A_132 = arith.addi %xor3A_126, %add3A_131 : vector<1024x128xi32>
    %add3A_133 = arith.addi %add3A_129, %add3A_132 : vector<1024x128xi32>
    %shift_left3A_134 = arith.constant 17 : i32
    %shift_left3A_135 = vector.broadcast %shift_left3A_134 : i32 to vector<1024x128xi32>
    %shift_left3A_136 = arith.shli %add3A_132, %shift_left3A_135 : vector<1024x128xi32>
    %shift_right_logical3A_137 = arith.constant 15 : i32
    %shift_right_logical3A_138 = vector.broadcast %shift_right_logical3A_137 : i32 to vector<1024x128xi32>
    %shift_right_logical3A_139 = arith.shrui %add3A_132, %shift_right_logical3A_138 : vector<1024x128xi32>
    %or3A_140 = arith.ori %shift_left3A_136, %shift_right_logical3A_139 : vector<1024x128xi32>
    %xor3A_141 = arith.xori %add3A_133, %or3A_140 : vector<1024x128xi32>
    %add3A_142 = arith.addi %add3A_133, %xor3A_141 : vector<1024x128xi32>
    %shift_left3A_143 = arith.constant 29 : i32
    %shift_left3A_144 = vector.broadcast %shift_left3A_143 : i32 to vector<1024x128xi32>
    %shift_left3A_145 = arith.shli %xor3A_141, %shift_left3A_144 : vector<1024x128xi32>
    %shift_right_logical3A_146 = arith.constant 3 : i32
    %shift_right_logical3A_147 = vector.broadcast %shift_right_logical3A_146 : i32 to vector<1024x128xi32>
    %shift_right_logical3A_148 = arith.shrui %xor3A_141, %shift_right_logical3A_147 : vector<1024x128xi32>
    %or3A_149 = arith.ori %shift_left3A_145, %shift_right_logical3A_148 : vector<1024x128xi32>
    %xor3A_150 = arith.xori %add3A_142, %or3A_149 : vector<1024x128xi32>
    %add3A_151 = arith.addi %add3A_142, %xor3A_150 : vector<1024x128xi32>
    %shift_left3A_152 = arith.constant 16 : i32
    %shift_left3A_153 = vector.broadcast %shift_left3A_152 : i32 to vector<1024x128xi32>
    %shift_left3A_154 = arith.shli %xor3A_150, %shift_left3A_153 : vector<1024x128xi32>
    %shift_right_logical3A_155 = arith.constant 16 : i32
    %shift_right_logical3A_156 = vector.broadcast %shift_right_logical3A_155 : i32 to vector<1024x128xi32>
    %shift_right_logical3A_157 = arith.shrui %xor3A_150, %shift_right_logical3A_156 : vector<1024x128xi32>
    %or3A_158 = arith.ori %shift_left3A_154, %shift_right_logical3A_157 : vector<1024x128xi32>
    %xor3A_159 = arith.xori %add3A_151, %or3A_158 : vector<1024x128xi32>
    %add3A_160 = arith.addi %add3A_151, %xor3A_159 : vector<1024x128xi32>
    %shift_left3A_161 = arith.constant 24 : i32
    %shift_left3A_162 = vector.broadcast %shift_left3A_161 : i32 to vector<1024x128xi32>
    %shift_left3A_163 = arith.shli %xor3A_159, %shift_left3A_162 : vector<1024x128xi32>
    %shift_right_logical3A_164 = arith.constant 8 : i32
    %shift_right_logical3A_165 = vector.broadcast %shift_right_logical3A_164 : i32 to vector<1024x128xi32>
    %shift_right_logical3A_166 = arith.shrui %xor3A_159, %shift_right_logical3A_165 : vector<1024x128xi32>
    %or3A_167 = arith.ori %shift_left3A_163, %shift_right_logical3A_166 : vector<1024x128xi32>
    %xor3A_168 = arith.xori %add3A_160, %or3A_167 : vector<1024x128xi32>
    %add3A_169 = arith.constant 1 : i32
    %add3A_170 = vector.broadcast %add3A_169 : i32 to vector<1024x128xi32>
    %add3A_171 = arith.addi %add3A_160, %add3A_170 : vector<1024x128xi32>
    %add3A_172 = arith.constant 466688991 : i32
    %add3A_173 = vector.broadcast %add3A_172 : i32 to vector<1024x128xi32>
    %add3A_174 = arith.addi %xor3A_168, %add3A_173 : vector<1024x128xi32>
    %add3A_175 = arith.addi %add3A_171, %add3A_174 : vector<1024x128xi32>
    %shift_left3A_176 = arith.constant 13 : i32
    %shift_left3A_177 = vector.broadcast %shift_left3A_176 : i32 to vector<1024x128xi32>
    %shift_left3A_178 = arith.shli %add3A_174, %shift_left3A_177 : vector<1024x128xi32>
    %shift_right_logical3A_179 = arith.constant 19 : i32
    %shift_right_logical3A_180 = vector.broadcast %shift_right_logical3A_179 : i32 to vector<1024x128xi32>
    %shift_right_logical3A_181 = arith.shrui %add3A_174, %shift_right_logical3A_180 : vector<1024x128xi32>
    %or3A_182 = arith.ori %shift_left3A_178, %shift_right_logical3A_181 : vector<1024x128xi32>
    %xor3A_183 = arith.xori %add3A_175, %or3A_182 : vector<1024x128xi32>
    %add3A_184 = arith.addi %add3A_175, %xor3A_183 : vector<1024x128xi32>
    %shift_left3A_185 = arith.constant 15 : i32
    %shift_left3A_186 = vector.broadcast %shift_left3A_185 : i32 to vector<1024x128xi32>
    %shift_left3A_187 = arith.shli %xor3A_183, %shift_left3A_186 : vector<1024x128xi32>
    %shift_right_logical3A_188 = arith.constant 17 : i32
    %shift_right_logical3A_189 = vector.broadcast %shift_right_logical3A_188 : i32 to vector<1024x128xi32>
    %shift_right_logical3A_190 = arith.shrui %xor3A_183, %shift_right_logical3A_189 : vector<1024x128xi32>
    %or3A_191 = arith.ori %shift_left3A_187, %shift_right_logical3A_190 : vector<1024x128xi32>
    %xor3A_192 = arith.xori %add3A_184, %or3A_191 : vector<1024x128xi32>
    %add3A_193 = arith.addi %add3A_184, %xor3A_192 : vector<1024x128xi32>
    %shift_left3A_194 = arith.constant 26 : i32
    %shift_left3A_195 = vector.broadcast %shift_left3A_194 : i32 to vector<1024x128xi32>
    %shift_left3A_196 = arith.shli %xor3A_192, %shift_left3A_195 : vector<1024x128xi32>
    %shift_right_logical3A_197 = arith.constant 6 : i32
    %shift_right_logical3A_198 = vector.broadcast %shift_right_logical3A_197 : i32 to vector<1024x128xi32>
    %shift_right_logical3A_199 = arith.shrui %xor3A_192, %shift_right_logical3A_198 : vector<1024x128xi32>
    %or3A_200 = arith.ori %shift_left3A_196, %shift_right_logical3A_199 : vector<1024x128xi32>
    %xor3A_201 = arith.xori %add3A_193, %or3A_200 : vector<1024x128xi32>
    %add3A_202 = arith.addi %add3A_193, %xor3A_201 : vector<1024x128xi32>
    %shift_left3A_203 = arith.constant 6 : i32
    %shift_left3A_204 = vector.broadcast %shift_left3A_203 : i32 to vector<1024x128xi32>
    %shift_left3A_205 = arith.shli %xor3A_201, %shift_left3A_204 : vector<1024x128xi32>
    %shift_right_logical3A_206 = arith.constant 26 : i32
    %shift_right_logical3A_207 = vector.broadcast %shift_right_logical3A_206 : i32 to vector<1024x128xi32>
    %shift_right_logical3A_208 = arith.shrui %xor3A_201, %shift_right_logical3A_207 : vector<1024x128xi32>
    %or3A_209 = arith.ori %shift_left3A_205, %shift_right_logical3A_208 : vector<1024x128xi32>
    %xor3A_210 = arith.xori %add3A_202, %or3A_209 : vector<1024x128xi32>
    %add3A_211 = arith.constant 466688987 : i32
    %add3A_212 = vector.broadcast %add3A_211 : i32 to vector<1024x128xi32>
    %add3A_213 = arith.addi %add3A_202, %add3A_212 : vector<1024x128xi32>
    %add3A_214 = arith.constant 5 : i32
    %add3A_215 = vector.broadcast %add3A_214 : i32 to vector<1024x128xi32>
    %add3A_216 = arith.addi %xor3A_210, %add3A_215 : vector<1024x128xi32>
    %xor3A_217 = arith.xori %add3A_213, %add3A_216 : vector<1024x128xi32>
    %shift_right_logical3A_218 = arith.constant 9 : i32
    %shift_right_logical3A_219 = vector.broadcast %shift_right_logical3A_218 : i32 to vector<1024x128xi32>
    %shift_right_logical3A_220 = arith.shrui %xor3A_217, %shift_right_logical3A_219 : vector<1024x128xi32>
    %convert_element_type3A = arith.sitofp %shift_right_logical3A_220 : vector<1024x128xi32> to vector<1024x128xf32>
    %mul3A_221 = arith.constant 1.1920929E-7 : f32
    %mul3A_222 = vector.broadcast %mul3A_221 : f32 to vector<1024x128xf32>
    %mul3A_223 = arith.mulf %convert_element_type3A, %mul3A_222 : vector<1024x128xf32>
    %sub3A = arith.constant 5.000000e-01 : f32
    %sub3A_224 = vector.broadcast %sub3A : f32 to vector<1024x128xf32>
    %sub3A_225 = arith.subf %mul3A_223, %sub3A_224 : vector<1024x128xf32>
    %get3A = arith.constant 0 : index
    %get3A_226 = arith.constant 0 : index
    %get3A_227 = vector.load %arg1[%get3A, %get3A_226] : memref<1x128xf32, #tpu.memory_space<vmem>>, vector<1x128xf32>
    %mul3A_228 = vector.broadcast %get3A_227 : vector<1x128xf32> to vector<1024x128xf32>
    %mul3A_229 = arith.mulf %sub3A_225, %mul3A_228 : vector<1024x128xf32>
    %swap3A = arith.constant 0 : index
    %swap3A_230 = arith.constant 0 : index
    %swap3A_231 = vector.load %arg2[%swap3A, %swap3A_230] : memref<1024x128xf32, #tpu.memory_space<vmem>>, vector<1024x128xf32>
    tpu.vector_store %arg2[%swap3A, %swap3A_230], %mul3A_229 {strides = array<i32>} : memref<1024x128xf32, #tpu.memory_space<vmem>>, vector<1024x128xf32>,
    return
  }
  func.func @transform_0(%arg0: i32) -> (i32, i32) {
    %c0_i32 = arith.constant 0 : i32
    %c0_i32_0 = arith.constant 0 : i32
    %c0_i32_1 = arith.constant 0 : i32
    return %c0_i32, %c0_i32_0 : i32, i32
  }
  func.func @transform_1(%arg0: i32) -> (i32, i32) {
    %c0_i32 = arith.constant 0 : i32
    %c0_i32_0 = arith.constant 0 : i32
    return %arg0, %c0_i32 : i32, i32
  }
}

</mosaic_0001>

<sc_bundles>
// kernel: kernel.4.cloned.1.call-start
scs
__scs_entry_jumppad:
0x0: {  	(pc) =	sbr.rel $0x88, $3  }
0x1: {  	(tag) =	ssettag $0x0;
	lr =	simm.s32 $0x1  }
0x2: {  	[smem:$0x3F9E] =	sst lr;
	_ =	strace $0xD0000000  }
0x3: {  	_ = 	snop  }
0x4: {  	_ = 	snop  }
0x5: {  	_ = 	snop  }
0x6: {  	_ = 	snop  }
0x7: {  	_ = 	snop  }
__scs_overlays_trampoline_lowered:
0x8: {  	[smem:$0x3FAD] =	sst s0  }
0x9: {  	[smem:$0x3FAE] =	sst s1  }
0xa: {  	[smem:$0x3FAF] =	sst s2  }
0xb: {  	[smem:$0x3FB0] =	sst s3  }
0xc: {  	[smem:$0x3FB1] =	sst s4  }
0xd: {  	[smem:$0x3FB2] =	sst s5  }
0xe: {  	[smem:$0x3FB3] =	sst s6  }
0xf: {  	[smem:$0x3FB4] =	sst s7  }
0x10: {  	[smem:$0x3FB5] =	sst s8  }
0x11: {  	[smem:$0x3FB6] =	sst s9;
	s0 =	simm.s32 @!p0 $0x0  }
0x12: {  	s1 =	sld [smem:$0x3F9C];
	s0 =	simm.s32 @p0 $0x1  }
0x13: {  	[smem:$0x3FB7] =	sst s0;
	s0 =	simm.s32 @!p1 $0x0  }
0x14: {  	s2 =	sld [smem:$0x3F9B];
	s0 =	simm.s32 @p1 $0x1  }
0x15: {  	[smem:$0x3FB8] =	sst s0;
	s0 =	simm.s32 @!p2 $0x0  }
0x16: {  	s3 =	sld [smem:$0x3FDB];
	s0 =	simm.s32 @p2 $0x1  }
0x17: {  	s4 =	simm.s32 $0x1BF5;
	[smem:$0x3FBA] =	sst s0  }
0x18: {  	s0 =	sld [smem:$0x3F9D];
	_ =	swait.ge [sflag:s4], $0x0  }
0x19: {  	s7 =	sld [smem:$0x3F9E]  }
0x1a: {  	s8 =	sadd.s32 $0xFFFFE003, lr  }
0x1b: {  	s9 =	sadd.s32 $0xFFFFFEF7, lr;
	s5 =	simm.s32 $0xFFFFFFFF;
	p2 =	slt.u32 s8, $0xFFFFF086  }
0x1c: {  	p1 =	slt.u32 s9, $0xF7A;
	s5 =	simm.s32 @!p2 $0x0  }
0x1d: {  	s5 =	simm.s32 @p1 $0x1;
	p0 =	seq.s32 s7, s2  }
0x1e: {  	s7 =	smul.u32 @!p0 $0xF7A, s2;
	p2 =	seq.s32 @!p0 s5, $0x0  }
0x1f: {  	s9 =	smul.u32 $0xF7A, s1;
	s8 =	simm.s32 @!p0 $0x1BF5;
	p2 =	por !p2, p0  }
0x20: {  	[sflag:s8] =	ssyncset.s32 @!p0 $0xFFFFF086;
	s6 =	sadd.s32 @!p0 s3, s7;
	s7 =	simm.s32 @!p0 $0x108  }
0x21: {  	s3 =	sadd.s32 s3, s9;
	s6 =	sadd.s32 @!p0 $0x88, s6;
	s7 =	simm.s32 @p2 $0x1082  }
0x22: {  	[simem:s7], [sflag:s8] =	dma.local @!p0 [hbm:s6], $0xF7A  }
0x23: {  	s9 =	sor.u32 $0xD0000000, s2;
	s6 =	simm.s32 $0x108;
	_ =	swait.ge @!p0 [sflag:s8], $0x0  }
0x24: {  	s3 =	sadd.s32 $0x88, s3;
	s6 =	simm.s32 @!p1 $0x1082;
	[sflag:s4] =	ssyncset.s32 $0xFFFFF086  }
0x25: {  	[simem:s6], [sflag:s4] =	dma.local [hbm:s3], $0xF7A  }
0x26: {  	[smem:$0x3F9E] =	sst s1;
	(tag) =	ssettag s2;
	_ =	strace s9  }
0x27: {  	s1 =	sld [smem:$0x3FAE]  }
0x28: {  	s2 =	sld [smem:$0x3FAF]  }
0x29: {  	s4 =	sld [smem:$0x3FB1]  }
0x2a: {  	p0 =	seq.s32 s5, $0x0;
	s5 =	sld [smem:$0x3FB2]  }
0x2b: {  	s6 =	sld [smem:$0x3FB3]  }
0x2c: {  	s7 =	sld [smem:$0x3FB4]  }
0x2d: {  	s3 =	simm.s32 $0x108;
	s8 =	sld [smem:$0x3FB5]  }
0x2e: {  	s3 =	simm.s32 @!p0 $0x1082;
	s9 =	sld [smem:$0x3FB6]  }
0x2f: {  	lr =	sadd.s32 s0, s3;
	s0 =	sld [smem:$0x3FAD]  }
0x30: {  	s3 =	sld [smem:$0x3FB0]  }
0x31: {  	[smem:$0x3FB9] =	sst s10  }
0x32: {  	s10 =	sld [smem:$0x3FB7];
	_ =	sdelay $0x3  }
0x33: {  	p0 =	seq.s32 s10, $0x1;
	s10 =	sld [smem:$0x3FB9];
	_ =	sdelay $0x3  }
0x34: {  	[smem:$0x3FB9] =	sst s10  }
0x35: {  	s10 =	sld [smem:$0x3FB8];
	_ =	sdelay $0x3  }
0x36: {  	p1 =	seq.s32 s10, $0x1;
	s10 =	sld [smem:$0x3FB9];
	_ =	sdelay $0x3  }
0x37: {  	[smem:$0x3FB9] =	sst s10  }
0x38: {  	s10 =	sld [smem:$0x3FBA]  }
0x39: {  	_ = 	snop;
	(pc) =	sbr.ind lr, $3  }
0x3a: {  	_ = 	snop  }
0x3b: {  	_ = 	snop  }
0x3c: {  	p2 =	seq.s32 s10, $0x1;
	s10 =	sld [smem:$0x3FB9]  }
0x3d: {  	_ =	shalt  }
0x3e: {  	_ =	shalt  }
0x3f: {  	_ =	shalt  }
0x40: {  	_ =	shalt  }
0x41: {  	_ =	shalt  }
0x42: {  	_ =	shalt  }
0x43: {  	_ =	shalt  }
0x44: {  	_ =	shalt  }
0x45: {  	_ =	shalt  }
0x46: {  	_ =	shalt  }
0x47: {  	_ =	shalt  }
0x48: {  	_ =	shalt  }
0x49: {  	_ =	shalt  }
0x4a: {  	_ =	shalt  }
0x4b: {  	_ =	shalt  }
0x4c: {  	_ =	shalt  }
0x4d: {  	_ =	shalt  }
0x4e: {  	_ =	shalt  }
0x4f: {  	_ =	shalt  }
0x50: {  	_ =	shalt  }
0x51: {  	_ =	shalt  }
0x52: {  	_ =	shalt  }
0x53: {  	_ =	shalt  }
0x54: {  	_ =	shalt  }
0x55: {  	_ =	shalt  }
0x56: {  	_ =	shalt  }
0x57: {  	_ =	shalt  }
0x58: {  	_ =	shalt  }
0x59: {  	_ =	shalt  }
0x5a: {  	_ =	shalt  }
0x5b: {  	_ =	shalt  }
0x5c: {  	_ =	shalt  }
0x5d: {  	_ =	shalt  }
0x5e: {  	_ =	shalt  }
0x5f: {  	_ =	shalt  }
0x60: {  	_ =	shalt  }
0x61: {  	_ =	shalt  }
0x62: {  	_ =	shalt  }
0x63: {  	_ =	shalt  }
0x64: {  	_ =	shalt  }
0x65: {  	_ =	shalt  }
0x66: {  	_ =	shalt  }
0x67: {  	_ =	shalt  }
0x68: {  	_ =	shalt  }
0x69: {  	_ =	shalt  }
0x6a: {  	_ =	shalt  }
0x6b: {  	_ =	shalt  }
0x6c: {  	_ =	shalt  }
0x6d: {  	_ =	shalt  }
0x6e: {  	_ =	shalt  }
0x6f: {  	_ =	shalt  }
0x70: {  	_ =	shalt  }
0x71: {  	_ =	shalt  }
0x72: {  	_ =	shalt  }
0x73: {  	_ =	shalt  }
0x74: {  	_ =	shalt  }
0x75: {  	_ =	shalt  }
0x76: {  	_ =	shalt  }
0x77: {  	_ =	shalt  }
0x78: {  	_ =	shalt  }
0x79: {  	_ =	shalt  }
0x7a: {  	_ =	shalt  }
0x7b: {  	_ =	shalt  }
0x7c: {  	_ =	shalt  }
0x7d: {  	_ =	shalt  }
0x7e: {  	_ =	shalt  }
0x7f: {  	_ =	shalt  }
0x80: {  	_ =	shalt  }
0x81: {  	_ =	shalt  }
0x82: {  	_ =	shalt  }
0x83: {  	_ =	shalt  }
0x84: {  	_ =	shalt  }
0x85: {  	_ =	shalt  }
0x86: {  	_ =	shalt  }
0x87: {  	_ =	shalt  }
.Lfunc_end0:
.L_simem_size_0:
called_computation_lowered:
.L_overlay_start_0:
0x88: {  	s2 =	sld [smem:$0x3FD9]  }
0x89: {  	s3 =	sld [smem:$0x3FFE];
	_ =	sdelay $0x1  }
0x8a: {  	s1 =	srdreg.scid  }
0x8b: {  	s0 =	sand.u32 $0x1, s1  }
0x8c: {  	s17 =	sshll.u32 s0, $0xA;
	s2 =	sadd.s32 s3, s2  }
0x8d: {  	s2 =	sadd.s32 s2, s17  }
0x8e: {  	[smem:$0x3FC5] =	sst s2  }
0x8f: {  	_ = 	snop  }
0x90: {  	s2 =	sld [smem:$0x3FC9]  }
0x91: {  	s18 =	sld [smem:$0x3FC7]  }
0x92: {  	s4 =	sld [smem:$0x3FD0];
	(tm) =	ssettm $0x1  }
0x93: {  	s5 =	sld [smem:$0x3FFB];
	_ =	sdelay $0x3  }
0x94: {  	_ =	strace s5  }
0x95: {  	s5 =	sld [smem:$0x3FFC];
	_ =	sdelay $0x3  }
0x96: {  	_ =	strace s5  }
0x97: {  	s5 =	sld [smem:$0x3FFD];
	_ =	sdelay $0x3  }
0x98: {  	_ =	strace s5  }
0x99: {  	_ =	strace $0x8FFFFFFF  }
0x9a: {  	s19 =	sld [smem:$0x3FDB];
	_ =	sdelay $0x1  }
0x9b: {  	s6 =	simm.s32 $_scs_section_size  }
0x9c: {  	s7 =	simm.s32 $_size__tile_overlayer_lowered;
	s8 =	simm.s32 $_tile_overlayer_lowered  }
0x9d: {  	s22 =	simm.s32 $0x1BFF;
	s21 =	sshll.u32 s8, $0x1;
	s5 =	sadd.s32 s6, s19  }
0x9e: {  	s9 =	simm.s32 $0x0;
	s20 =	sshll.u32 s7, $0x1;
	s7 =	sadd.s32 s21, s5  }
0x9f: {  	[timem:s9], [sflag:s22] =	dma.local [hbm:s7], s20  }
0xa0: {  	_ =	swait.ge [sflag:s22], s20  }
0xa1: {  	s6 =	ssub.s32 $0x0, s20;
	[sflag:s22] =	ssyncset.done $0x0  }
0xa2: {  	[sflag:s22] =	ssyncadd.s32 s6;
	_ =	sdelay $0x1  }
0xa3: {  	s23 =	simm.s32 $0x1B8B  }
0xa4: {  	_ =	swait.ge [sflag:s23], $0x1  }
0xa5: {  	[sflag:s23] =	ssyncset.done $0x0  }
0xa6: {  	s25 =	simm.s32 $0x1B8E;
	s24 =	sld [smem:$0x3FFE];
	[sflag:s23] =	ssyncadd.s32 $0xFFFFFFFF  }
0xa7: {  	s26 =	simm.s32 $execute0_lowered;
	[smem:$0x3FD2] =	sst s25  }
0xa8: {  	s7 =	sshll.u32 s26, $0x1;
	_ =	strace $0x80000046;
	[dreg:$0x1] =	wrdreg $0xFFFFFFFF  }
0xa9: {  	s28 =	simm.s32 $_size_execute0_lowered;
	s5 =	sadd.s32 s5, s7;
	[dreg:$0x0] =	wrdreg $0x0  }
0xaa: {  	s7 =	sshll.u32 s28, $0x1;
	[dreg:$0x2] =	wrdreg s5  }
0xab: {  	[dreg:$0x3] =	wrdreg s7  }
0xac: {  	[dreg:$0x4] =	wrdreg $0xC0  }
0xad: {  	_ =	task [dreg:s9], $0x5FFFF  }
0xae: {  	[dreg:$0x1] =	wrdreg $0xFFFFFFFF  }
0xaf: {  	[dreg:$0x0] =	wrdreg $0x60  }
0xb0: {  	[dreg:$0x2] =	wrdreg s2  }
0xb1: {  	[dreg:$0x3] =	wrdreg s18  }
0xb2: {  	[dreg:$0x4] =	wrdreg s24  }
0xb3: {  	[dreg:$0x5] =	wrdreg s4  }
0xb4: {  	[dreg:$0x6] =	wrdreg $0x9  }
0xb5: {  	_ =	task.clear_ibuf [dreg:s9], $0x7FFFF;
	_ =	strace $0x90000046  }
0xb6: {  	s29 =	simm.s32 $0x9;
	_ =	strace $0x80000048  }
0xb7: {  	_ =	swait.ge [sflag:s29], $0x1  }
0xb8: {  	[sflag:s29] =	ssyncadd.s32 $0xFFFFFFFF  }
0xb9: {  	_ =	strace $0x90000048  }
0xba: {  	_ =	sfence  }
0xbb: {  	s30 =	sld [smem:$0x0];
	_ =	sdelay $0x2  }
0xbc: {  	s31 =	sshll.u32 s1, $0xD;
	s1 =	sshrl.u32 s1, $0x2  }
0xbd: {  	s3 =	sand.u32 $0x4000, s31;
	s1 =	sadd.s32 s1, s30  }
0xbe: {  	s0 =	sor.u32 s3, s0;
	s1 =	sshll.u32 s1, $0x11  }
0xbf: {  	s0 =	sor.u32 s1, s0  }
0xc0: {  	s0 =	sadd.s32 $0x8F2B, s0  }
0xc1: {  	[sflag:s0] =	ssyncadd.remote.s32 $0x1  }
0xc2: {  	_ =	sfence.sel $0xFFFF  }
0xc3: {  	[dreg:$0x0] =	wrdreg $0xFFFFFFFF;
	(pc) =	sbr.abs _section_cstart, $3  }
0xc4: {  	[dreg:$0x1] =	wrdreg $0xFFFFFFFF  }
0xc5: {  	_ =	task.clear_ibuf [dreg:s9], $0x2FFFF;
	_ =	strace $0x9FFFFFFF  }
0xc6: {  	(tm) =	ssettm $0x7FFFFFFF  }
0xc7: {  	_ =	shalt  }
tec
execute0_lowered:
.L_overlay_start_1:
0x0: {  	(tag) =	ssettag $0x1  }
0x1: {  	s0 =	rddreg [dreg:$0x0]  }
0x2: {  	s1 =	rddreg [dreg:$0x2]  }
0x3: {  	s2 =	rddreg [dreg:$0x3];
	s3 =	simm.s32 $0x0;
	s4 =	srdreg.scid  }
0x4: {  	s5 =	stileid.u32;
	s17 =	simm.s32 $0xC000;
	s18 =	simm.s32 $0x4000  }
0x5: {  	s20 =	simm.s32 $0x8000;
	s21 =	simm.s32 $0xE000;
	s22 =	simm.s32 $0xF000  }
0x6: {  	s23 =	simm.s32 $0x8;
	s24 =	simm.s32 $0x1;
	s25 =	simm.s32 $0x4  }
0x7: {  	s26 =	simm.s32 $0x2;
	s28 =	simm.s32 $0x5;
	s29 =	simm.s32 $0x7  }
0x8: {  	s30 =	simm.s32 $0x3;
	s4 =	sand.u32 $0x1, s4;
	s5 =	sshll.u32 s5, $0x1  }
0x9: {  	s31 =	simm.s32 $0x6;
	[smem:$0x7FF] =	sst s3;
	s5 =	sor.u32 s4, s5  }
0xa: {  	_ =	strace $0x80000047;
	s4 =	ssub.s32 $0x2, s4;
	s6 =	sshll.u32 s5, $0xB  }
0xb: {  	s7 =	sshrl.u32 s4, $0x1;
	s11 =	sshll.u32 s5, $0xD;
	s1 =	sadd.s32 s6, s1  }
0xc: {  	s16 =	ssub.s32 s4, s7;
	s4 =	sadd.s32 s0, s11;
	s12 =	sor.u32 $0x800, s11  }
0xd: {  	s14 =	sor.u32 $0x1000, s11;
	s10 =	sadd.s32 s2, s11;
	s15 =	sor.u32 $0x1800, s11  }
0xe: {  	s5 =	sadd.s32 $0x600, s1;
	s6 =	sadd.s32 s0, s12;
	s7 =	sadd.s32 $0x800, s1  }
0xf: {  	s8 =	sadd.s32 s0, s14;
	s9 =	sadd.s32 $0xA00, s1;
	s11 =	sadd.s32 s2, s12  }
0x10: {  	s12 =	sadd.s32 s0, s15;
	s13 =	sadd.s32 $0xC00, s1;
	s14 =	sadd.s32 s2, s14  }
0x11: {  	s15 =	sadd.s32 s2, s15;
	s16 =	smax.u32 s16, $0x1;
	s0 =	simm.s32 $0x0  }
.LBB2_1:
0x12: {  	[tilespmem:s3], [sflag:$0x1] =	stream.linear.gather [hbm4b:s4+s3], $0x4000, $0x38;
	[tilespmem:$0xF080] =	vst v63  }
0x13: {  	_ = 	snop  }
0x14: {  	[tilespmem:s17], [sflag:$0x4] =	stream.linear.gather [hbm4b:s5+s3], $0x1000, $0x38;
	[tilespmem:$0xF080] =	vst v63  }
0x15: {  	_ = 	snop  }
0x16: {  	[tilespmem:s18], [sflag:$0x2] =	stream.linear.gather [hbm4b:s6+s3], $0x4000, $0x38;
	[tilespmem:$0xF080] =	vst v63  }
0x17: {  	s1 =	simm.s32 $0xD000  }
0x18: {  	[tilespmem:s1], [sflag:$0x5] =	stream.linear.gather [hbm4b:s7+s3], $0x1000, $0x38;
	[tilespmem:$0xF080] =	vst v63  }
0x19: {  	_ = 	snop  }
0x1a: {  	[tilespmem:s20], [sflag:$0x3] =	stream.linear.gather [hbm4b:s8+s3], $0x4000, $0x38;
	[tilespmem:$0xF080] =	vst v63  }
0x1b: {  	_ = 	snop  }
0x1c: {  	[tilespmem:s21], [sflag:$0x6] =	stream.linear.gather [hbm4b:s9+s3], $0x1000, $0x38;
	[tilespmem:$0xF080] =	vst v63  }
0x1d: {  	s2 =	rddreg [dreg:$0x1]  }
0x1e: {  	[tilespmem:s22], [sflag:$0x8] =	stream.linear.gather [hbm4b:s2+s3], $0x80, $0x38;
	[tilespmem:$0xF080] =	vst v63  }
0x1f: {  	_ =	swait.ge [sflag:s23], $0x80  }
0x20: {  	[sflag:s23] =	ssyncset.done $0x0  }
0x21: {  	[sflag:s23] =	ssyncadd.s32 $0xFFFFFF80  }
0x22: {  	v1 =	vld [tilespmem:$0xF000]  }
0x23: {  	v0 =	vmov s3  }
0x24: {  	v2 =	vshll.u32 v0, $0x7  }
0x25: {  	v2 =	vbroadcast v2, $0x0;
	v0 =	vld [tilespmem:$0xF010];
	_ =	swait.ge [sflag:s24], $0x4000  }
0x26: {  	[sflag:s24] =	ssyncset.done $0x0  }
0x27: {  	[sflag:s24] =	ssyncadd.s32 $0xFFFFC000;
	v3 =	vadd.s32 v1, v2  }
0x28: {  	_ =	swait.ge [sflag:s25], $0x1000  }
0x29: {  	[sflag:s25] =	ssyncset.done $0x0  }
0x2a: {  	s2 =	simm.s32 $0xC040;
	[sflag:s25] =	ssyncadd.s32 $0xFFFFF000  }
0x2b: {  	v5 =	vld [tilespmem:s2+$0xFFFFFFC0]  }
0x2c: {  	v4 =	vld.idx.msk [tilespmem:v3+s3+$0x0], $0xffff;
	_ =	sdelay $0x2  }
0x2d: {  	v6 =	vadd.s32 v0, v2;
	_ =	sdelay $0x1  }
0x2e: {  	v4 =	vadd.f32 v4, v5;
	_ =	sdelay $0x1  }
0x2f: {  	[tilespmem:v3+s3+$0x0] =	vst.idx.msk $0xffff, v4  }
0x30: {  	v3 =	vld.idx.msk [tilespmem:v6+s3+$0x0], $0xffff  }
0x31: {  	v4 =	vld [tilespmem:s2+$0xFFFFFFD0];
	_ =	sdelay $0x1  }
0x32: {  	v5 =	vor.u32 $0x80, v2  }
0x33: {  	v7 =	vadd.s32 v1, v5;
	_ =	sdelay $0x1  }
0x34: {  	v3 =	vadd.f32 v3, v4;
	_ =	sdelay $0x1  }
0x35: {  	[tilespmem:v6+s3+$0x0] =	vst.idx.msk $0xffff, v3  }
0x36: {  	v3 =	vld.idx.msk [tilespmem:v7+s3+$0x0], $0xffff  }
0x37: {  	v4 =	vld [tilespmem:s2+$0xFFFFFFE0];
	_ =	sdelay $0x2  }
0x38: {  	v5 =	vadd.s32 v0, v5;
	_ =	sdelay $0x1  }
0x39: {  	v3 =	vadd.f32 v3, v4;
	_ =	sdelay $0x1  }
0x3a: {  	[tilespmem:v7+s3+$0x0] =	vst.idx.msk $0xffff, v3  }
0x3b: {  	v3 =	vld.idx.msk [tilespmem:v5+s3+$0x0], $0xffff  }
0x3c: {  	v4 =	vld [tilespmem:s2+$0xFFFFFFF0];
	_ =	sdelay $0x1  }
0x3d: {  	v6 =	vor.u32 $0x100, v2  }
0x3e: {  	v7 =	vadd.s32 v1, v6;
	_ =	sdelay $0x1  }
0x3f: {  	v3 =	vadd.f32 v3, v4;
	_ =	sdelay $0x1  }
0x40: {  	[tilespmem:v5+s3+$0x0] =	vst.idx.msk $0xffff, v3  }
0x41: {  	v3 =	vld.idx.msk [tilespmem:v7+s3+$0x0], $0xffff  }
0x42: {  	v4 =	vld [tilespmem:s2+$0x0];
	_ =	sdelay $0x2  }
0x43: {  	v5 =	vadd.s32 v0, v6;
	_ =	sdelay $0x1  }
0x44: {  	v3 =	vadd.f32 v3, v4;
	_ =	sdelay $0x1  }
0x45: {  	[tilespmem:v7+s3+$0x0] =	vst.idx.msk $0xffff, v3  }
0x46: {  	v3 =	vld.idx.msk [tilespmem:v5+s3+$0x0], $0xffff  }
0x47: {  	v4 =	vld [tilespmem:s2+$0x10];
	_ =	sdelay $0x1  }
0x48: {  	v2 =	vor.u32 $0x180, v2  }
0x49: {  	v6 =	vadd.s32 v1, v2;
	_ =	sdelay $0x1  }
0x4a: {  	v3 =	vadd.f32 v3, v4;
	_ =	sdelay $0x1  }
0x4b: {  	[tilespmem:v5+s3+$0x0] =	vst.idx.msk $0xffff, v3  }
0x4c: {  	v3 =	vld.idx.msk [tilespmem:v6+s3+$0x0], $0xffff  }
0x4d: {  	v4 =	vld [tilespmem:s2+$0x20];
	_ =	sdelay $0x2  }
0x4e: {  	v5 =	vadd.s32 v0, v2;
	_ =	sdelay $0x1  }
0x4f: {  	v2 =	vadd.f32 v3, v4;
	_ =	sdelay $0x1  }
0x50: {  	s19 =	simm.s32 $0x4;
	[tilespmem:v6+s3+$0x0] =	vst.idx.msk $0xffff, v2  }
0x51: {  	v2 =	vmov s19;
	v8 =	vld.idx.msk [tilespmem:v5+s3+$0x0], $0xffff  }
0x52: {  	v9 =	vld [tilespmem:s2+$0x30];
	v2 =	vshll.u32 v2, $0x7  }
0x53: {  	v7 =	vbroadcast v2, $0x0;
	_ =	sdelay $0x1  }
0x54: {  	v6 =	vadd.s32 v1, v7  }
0x55: {  	v4 =	vor.u32 $0x80, v7  }
0x56: {  	s1 =	simm.s32 $0x8;
	v3 =	vor.u32 $0x100, v7;
	v2 =	vor.u32 $0x180, v7;
	v8 =	vadd.f32 v8, v9  }
.LBB2_2:
0x57: {  	p0 =	sne.s32 s1, $0x7C  }
0x58: {  	s2 =	sadd.s32 $0x80, s2;
	s19 =	smov.u32 s1;
	s1 =	sadd.s32 $0x4, s1;
	[tilespmem:v5+s3+$0x0] =	vst.idx.msk $0xffff, v8  }
0x59: {  	v5 =	vld.idx.msk [tilespmem:v6+s3+$0x0], $0xffff  }
0x5a: {  	v8 =	vld [tilespmem:s2+$0xFFFFFFC0];
	_ =	sdelay $0x2  }
0x5b: {  	v7 =	vadd.s32 v0, v7;
	_ =	sdelay $0x1  }
0x5c: {  	v5 =	vadd.f32 v5, v8;
	_ =	sdelay $0x1  }
0x5d: {  	[tilespmem:v6+s3+$0x0] =	vst.idx.msk $0xffff, v5  }
0x5e: {  	v5 =	vld.idx.msk [tilespmem:v7+s3+$0x0], $0xffff  }
0x5f: {  	v6 =	vld [tilespmem:s2+$0xFFFFFFD0];
	_ =	sdelay $0x2  }
0x60: {  	v8 =	vadd.s32 v1, v4;
	_ =	sdelay $0x1  }
0x61: {  	v5 =	vadd.f32 v5, v6;
	_ =	sdelay $0x1  }
0x62: {  	[tilespmem:v7+s3+$0x0] =	vst.idx.msk $0xffff, v5  }
0x63: {  	v5 =	vld.idx.msk [tilespmem:v8+s3+$0x0], $0xffff  }
0x64: {  	v6 =	vld [tilespmem:s2+$0xFFFFFFE0];
	_ =	sdelay $0x2  }
0x65: {  	v4 =	vadd.s32 v0, v4;
	_ =	sdelay $0x1  }
0x66: {  	v5 =	vadd.f32 v5, v6;
	_ =	sdelay $0x1  }
0x67: {  	[tilespmem:v8+s3+$0x0] =	vst.idx.msk $0xffff, v5  }
0x68: {  	v5 =	vld.idx.msk [tilespmem:v4+s3+$0x0], $0xffff  }
0x69: {  	v6 =	vld [tilespmem:s2+$0xFFFFFFF0];
	_ =	sdelay $0x2  }
0x6a: {  	v7 =	vadd.s32 v1, v3;
	_ =	sdelay $0x1  }
0x6b: {  	v5 =	vadd.f32 v5, v6;
	_ =	sdelay $0x1  }
0x6c: {  	[tilespmem:v4+s3+$0x0] =	vst.idx.msk $0xffff, v5  }
0x6d: {  	v4 =	vld.idx.msk [tilespmem:v7+s3+$0x0], $0xffff  }
0x6e: {  	v5 =	vld [tilespmem:s2+$0x0];
	_ =	sdelay $0x2  }
0x6f: {  	v3 =	vadd.s32 v0, v3;
	_ =	sdelay $0x1  }
0x70: {  	v4 =	vadd.f32 v4, v5;
	_ =	sdelay $0x1  }
0x71: {  	[tilespmem:v7+s3+$0x0] =	vst.idx.msk $0xffff, v4  }
0x72: {  	v4 =	vld.idx.msk [tilespmem:v3+s3+$0x0], $0xffff  }
0x73: {  	v5 =	vld [tilespmem:s2+$0x10];
	_ =	sdelay $0x2  }
0x74: {  	v6 =	vadd.s32 v1, v2;
	_ =	sdelay $0x1  }
0x75: {  	v4 =	vadd.f32 v4, v5;
	_ =	sdelay $0x1  }
0x76: {  	[tilespmem:v3+s3+$0x0] =	vst.idx.msk $0xffff, v4  }
0x77: {  	v3 =	vld.idx.msk [tilespmem:v6+s3+$0x0], $0xffff  }
0x78: {  	v4 =	vld [tilespmem:s2+$0x20];
	_ =	sdelay $0x2  }
0x79: {  	v5 =	vadd.s32 v0, v2;
	_ =	sdelay $0x1  }
0x7a: {  	v2 =	vadd.f32 v3, v4;
	_ =	sdelay $0x1  }
0x7b: {  	[tilespmem:v6+s3+$0x0] =	vst.idx.msk $0xffff, v2  }
0x7c: {  	v2 =	vmov s19;
	v8 =	vld.idx.msk [tilespmem:v5+s3+$0x0], $0xffff  }
0x7d: {  	v2 =	vshll.u32 v2, $0x7;
	v9 =	vld [tilespmem:s2+$0x30]  }
.Ltmp0:
0x7e: {  	v7 =	vbroadcast v2, $0x0;
	(pc) =	sbr.rel @p0 .LBB2_2-.Ltmp0, $4  }
0x7f: {  	_ = 	snop  }
0x80: {  	v6 =	vadd.s32 v1, v7;
	v4 =	vor.u32 $0x80, v7;
	v3 =	vor.u32 $0x100, v7  }
0x81: {  	v2 =	vor.u32 $0x180, v7  }
0x82: {  	v8 =	vadd.f32 v8, v9  }
0x83: {  	_ =	sdelay $0x3  }
0x84: {  	[tilespmem:v5+s3+$0x0] =	vst.idx.msk $0xffff, v8  }
0x85: {  	s1 =	sadd.s32 $0x80, s2;
	v5 =	vld.idx.msk [tilespmem:v6+s3+$0x0], $0xffff  }
0x86: {  	v8 =	vld [tilespmem:s1+$0xFFFFFFC0];
	_ =	sdelay $0x2  }
0x87: {  	v7 =	vadd.s32 v0, v7;
	_ =	sdelay $0x1  }
0x88: {  	v5 =	vadd.f32 v5, v8;
	_ =	sdelay $0x1  }
0x89: {  	[tilespmem:v6+s3+$0x0] =	vst.idx.msk $0xffff, v5  }
0x8a: {  	v5 =	vld.idx.msk [tilespmem:v7+s3+$0x0], $0xffff  }
0x8b: {  	v6 =	vld [tilespmem:s1+$0xFFFFFFD0];
	_ =	sdelay $0x2  }
0x8c: {  	v8 =	vadd.s32 v1, v4;
	_ =	sdelay $0x1  }
0x8d: {  	v5 =	vadd.f32 v5, v6;
	_ =	sdelay $0x1  }
0x8e: {  	[tilespmem:v7+s3+$0x0] =	vst.idx.msk $0xffff, v5  }
0x8f: {  	v5 =	vld.idx.msk [tilespmem:v8+s3+$0x0], $0xffff  }
0x90: {  	v6 =	vld [tilespmem:s1+$0xFFFFFFE0];
	_ =	sdelay $0x2  }
0x91: {  	v4 =	vadd.s32 v0, v4;
	_ =	sdelay $0x1  }
0x92: {  	v5 =	vadd.f32 v5, v6;
	_ =	sdelay $0x1  }
0x93: {  	[tilespmem:v8+s3+$0x0] =	vst.idx.msk $0xffff, v5  }
0x94: {  	v5 =	vld.idx.msk [tilespmem:v4+s3+$0x0], $0xffff  }
0x95: {  	v6 =	vld [tilespmem:s1+$0xFFFFFFF0];
	_ =	sdelay $0x2  }
0x96: {  	v7 =	vadd.s32 v1, v3;
	_ =	sdelay $0x1  }
0x97: {  	v5 =	vadd.f32 v5, v6;
	_ =	sdelay $0x1  }
0x98: {  	[tilespmem:v4+s3+$0x0] =	vst.idx.msk $0xffff, v5  }
0x99: {  	v4 =	vld.idx.msk [tilespmem:v7+s3+$0x0], $0xffff  }
0x9a: {  	v5 =	vld [tilespmem:s1+$0x0];
	_ =	sdelay $0x2  }
0x9b: {  	v3 =	vadd.s32 v0, v3;
	_ =	sdelay $0x1  }
0x9c: {  	v4 =	vadd.f32 v4, v5;
	_ =	sdelay $0x1  }
0x9d: {  	[tilespmem:v7+s3+$0x0] =	vst.idx.msk $0xffff, v4  }
0x9e: {  	v4 =	vld.idx.msk [tilespmem:v3+s3+$0x0], $0xffff  }
0x9f: {  	v5 =	vld [tilespmem:s1+$0x10];
	_ =	sdelay $0x2  }
0xa0: {  	v6 =	vadd.s32 v1, v2;
	_ =	sdelay $0x1  }
0xa1: {  	v4 =	vadd.f32 v4, v5;
	_ =	sdelay $0x1  }
0xa2: {  	[tilespmem:v3+s3+$0x0] =	vst.idx.msk $0xffff, v4  }
0xa3: {  	v3 =	vld.idx.msk [tilespmem:v6+s3+$0x0], $0xffff  }
0xa4: {  	v4 =	vld [tilespmem:s1+$0x20];
	_ =	sdelay $0x2  }
0xa5: {  	v2 =	vadd.s32 v0, v2;
	_ =	sdelay $0x1  }
0xa6: {  	v3 =	vadd.f32 v3, v4;
	_ =	sdelay $0x1  }
0xa7: {  	[tilespmem:v6+s3+$0x0] =	vst.idx.msk $0xffff, v3  }
0xa8: {  	v3 =	vld.idx.msk [tilespmem:v2+s3+$0x0], $0xffff  }
0xa9: {  	v4 =	vld [tilespmem:s1+$0x30];
	_ =	sdelay $0x4  }
0xaa: {  	s2 =	simm.s32 $0x0;
	v3 =	vadd.f32 v3, v4  }
0xab: {  	v4 =	vmov s2  }
0xac: {  	[tilespmem:v2+s3+$0x0] =	vst.idx.msk $0xffff, v3;
	v2 =	vshll.u32 v4, $0x7  }
0xad: {  	[hbm4b:s10+s2] =	stream.linear.scatter [tilespmem:s2], [sflag:$0x7], $0x4000, $0x38;
	v2 =	vbroadcast v2, $0x0;
	[tilespmem:$0xF080] =	vst v63  }
0xae: {  	_ =	swait.ge [sflag:s26], $0x4000  }
0xaf: {  	[sflag:s26] =	ssyncset.done $0x0;
	v3 =	vadd.s32 v1, v2  }
0xb0: {  	[sflag:s26] =	ssyncadd.s32 $0xFFFFC000  }
0xb1: {  	_ =	swait.ge [sflag:s28], $0x1000  }
0xb2: {  	[sflag:s28] =	ssyncset.done $0x0  }
0xb3: {  	[sflag:s28] =	ssyncadd.s32 $0xFFFFF000  }
0xb4: {  	s2 =	simm.s32 $0xD040;
	v4 =	vld.idx.msk [tilespmem:v3+s18+$0x0], $0xffff  }
0xb5: {  	v5 =	vld [tilespmem:s2+$0xFFFFFFC0];
	_ =	sdelay $0x2  }
0xb6: {  	v6 =	vadd.s32 v0, v2;
	_ =	sdelay $0x1  }
0xb7: {  	v4 =	vadd.f32 v4, v5;
	_ =	sdelay $0x1  }
0xb8: {  	[tilespmem:v3+s18+$0x0] =	vst.idx.msk $0xffff, v4  }
0xb9: {  	v3 =	vld.idx.msk [tilespmem:v6+s18+$0x0], $0xffff  }
0xba: {  	v4 =	vld [tilespmem:s2+$0xFFFFFFD0];
	_ =	sdelay $0x1  }
0xbb: {  	v5 =	vor.u32 $0x80, v2  }
0xbc: {  	v7 =	vadd.s32 v1, v5;
	_ =	sdelay $0x1  }
0xbd: {  	v3 =	vadd.f32 v3, v4;
	_ =	sdelay $0x1  }
0xbe: {  	[tilespmem:v6+s18+$0x0] =	vst.idx.msk $0xffff, v3  }
0xbf: {  	v3 =	vld.idx.msk [tilespmem:v7+s18+$0x0], $0xffff  }
0xc0: {  	v4 =	vld [tilespmem:s2+$0xFFFFFFE0];
	_ =	sdelay $0x2  }
0xc1: {  	v5 =	vadd.s32 v0, v5;
	_ =	sdelay $0x1  }
0xc2: {  	v3 =	vadd.f32 v3, v4;
	_ =	sdelay $0x1  }
0xc3: {  	[tilespmem:v7+s18+$0x0] =	vst.idx.msk $0xffff, v3  }
0xc4: {  	v3 =	vld.idx.msk [tilespmem:v5+s18+$0x0], $0xffff  }
0xc5: {  	v4 =	vld [tilespmem:s2+$0xFFFFFFF0];
	_ =	sdelay $0x1  }
0xc6: {  	v6 =	vor.u32 $0x100, v2  }
0xc7: {  	v7 =	vadd.s32 v1, v6;
	_ =	sdelay $0x1  }
0xc8: {  	v3 =	vadd.f32 v3, v4;
	_ =	sdelay $0x1  }
0xc9: {  	[tilespmem:v5+s18+$0x0] =	vst.idx.msk $0xffff, v3  }
0xca: {  	v3 =	vld.idx.msk [tilespmem:v7+s18+$0x0], $0xffff  }
0xcb: {  	v4 =	vld [tilespmem:s2+$0x0];
	_ =	sdelay $0x2  }
0xcc: {  	v5 =	vadd.s32 v0, v6;
	_ =	sdelay $0x1  }
0xcd: {  	v3 =	vadd.f32 v3, v4;
	_ =	sdelay $0x1  }
0xce: {  	[tilespmem:v7+s18+$0x0] =	vst.idx.msk $0xffff, v3  }
0xcf: {  	v3 =	vld.idx.msk [tilespmem:v5+s18+$0x0], $0xffff  }
0xd0: {  	v4 =	vld [tilespmem:s2+$0x10];
	_ =	sdelay $0x1  }
0xd1: {  	v2 =	vor.u32 $0x180, v2  }
0xd2: {  	v6 =	vadd.s32 v1, v2;
	_ =	sdelay $0x1  }
0xd3: {  	v3 =	vadd.f32 v3, v4;
	_ =	sdelay $0x1  }
0xd4: {  	[tilespmem:v5+s18+$0x0] =	vst.idx.msk $0xffff, v3  }
0xd5: {  	v3 =	vld.idx.msk [tilespmem:v6+s18+$0x0], $0xffff  }
0xd6: {  	v4 =	vld [tilespmem:s2+$0x20];
	_ =	sdelay $0x2  }
0xd7: {  	v5 =	vadd.s32 v0, v2;
	_ =	sdelay $0x1  }
0xd8: {  	v2 =	vadd.f32 v3, v4;
	_ =	sdelay $0x1  }
0xd9: {  	s19 =	simm.s32 $0x4;
	[tilespmem:v6+s18+$0x0] =	vst.idx.msk $0xffff, v2  }
0xda: {  	v2 =	vmov s19;
	v8 =	vld.idx.msk [tilespmem:v5+s18+$0x0], $0xffff  }
0xdb: {  	v9 =	vld [tilespmem:s2+$0x30];
	v2 =	vshll.u32 v2, $0x7  }
0xdc: {  	v7 =	vbroadcast v2, $0x0;
	_ =	sdelay $0x1  }
0xdd: {  	v6 =	vadd.s32 v1, v7  }
0xde: {  	v4 =	vor.u32 $0x80, v7  }
0xdf: {  	s1 =	simm.s32 $0x8;
	v3 =	vor.u32 $0x100, v7;
	v2 =	vor.u32 $0x180, v7;
	v8 =	vadd.f32 v8, v9  }
.LBB2_4:
0xe0: {  	p0 =	sne.s32 s1, $0x7C  }
0xe1: {  	s2 =	sadd.s32 $0x80, s2;
	s19 =	smov.u32 s1;
	s1 =	sadd.s32 $0x4, s1;
	[tilespmem:v5+s18+$0x0] =	vst.idx.msk $0xffff, v8  }
0xe2: {  	v5 =	vld.idx.msk [tilespmem:v6+s18+$0x0], $0xffff  }
0xe3: {  	v8 =	vld [tilespmem:s2+$0xFFFFFFC0];
	_ =	sdelay $0x2  }
0xe4: {  	v7 =	vadd.s32 v0, v7;
	_ =	sdelay $0x1  }
0xe5: {  	v5 =	vadd.f32 v5, v8;
	_ =	sdelay $0x1  }
0xe6: {  	[tilespmem:v6+s18+$0x0] =	vst.idx.msk $0xffff, v5  }
0xe7: {  	v5 =	vld.idx.msk [tilespmem:v7+s18+$0x0], $0xffff  }
0xe8: {  	v6 =	vld [tilespmem:s2+$0xFFFFFFD0];
	_ =	sdelay $0x2  }
0xe9: {  	v8 =	vadd.s32 v1, v4;
	_ =	sdelay $0x1  }
0xea: {  	v5 =	vadd.f32 v5, v6;
	_ =	sdelay $0x1  }
0xeb: {  	[tilespmem:v7+s18+$0x0] =	vst.idx.msk $0xffff, v5  }
0xec: {  	v5 =	vld.idx.msk [tilespmem:v8+s18+$0x0], $0xffff  }
0xed: {  	v6 =	vld [tilespmem:s2+$0xFFFFFFE0];
	_ =	sdelay $0x2  }
0xee: {  	v4 =	vadd.s32 v0, v4;
	_ =	sdelay $0x1  }
0xef: {  	v5 =	vadd.f32 v5, v6;
	_ =	sdelay $0x1  }
0xf0: {  	[tilespmem:v8+s18+$0x0] =	vst.idx.msk $0xffff, v5  }
0xf1: {  	v5 =	vld.idx.msk [tilespmem:v4+s18+$0x0], $0xffff  }
0xf2: {  	v6 =	vld [tilespmem:s2+$0xFFFFFFF0];
	_ =	sdelay $0x2  }
0xf3: {  	v7 =	vadd.s32 v1, v3;
	_ =	sdelay $0x1  }
0xf4: {  	v5 =	vadd.f32 v5, v6;
	_ =	sdelay $0x1  }
0xf5: {  	[tilespmem:v4+s18+$0x0] =	vst.idx.msk $0xffff, v5  }
0xf6: {  	v4 =	vld.idx.msk [tilespmem:v7+s18+$0x0], $0xffff  }
0xf7: {  	v5 =	vld [tilespmem:s2+$0x0];
	_ =	sdelay $0x2  }
0xf8: {  	v3 =	vadd.s32 v0, v3;
	_ =	sdelay $0x1  }
0xf9: {  	v4 =	vadd.f32 v4, v5;
	_ =	sdelay $0x1  }
0xfa: {  	[tilespmem:v7+s18+$0x0] =	vst.idx.msk $0xffff, v4  }
0xfb: {  	v4 =	vld.idx.msk [tilespmem:v3+s18+$0x0], $0xffff  }
0xfc: {  	v5 =	vld [tilespmem:s2+$0x10];
	_ =	sdelay $0x2  }
0xfd: {  	v6 =	vadd.s32 v1, v2;
	_ =	sdelay $0x1  }
0xfe: {  	v4 =	vadd.f32 v4, v5;
	_ =	sdelay $0x1  }
0xff: {  	[tilespmem:v3+s18+$0x0] =	vst.idx.msk $0xffff, v4  }
0x100: {  	v3 =	vld.idx.msk [tilespmem:v6+s18+$0x0], $0xffff  }
0x101: {  	v4 =	vld [tilespmem:s2+$0x20];
	_ =	sdelay $0x2  }
0x102: {  	v5 =	vadd.s32 v0, v2;
	_ =	sdelay $0x1  }
0x103: {  	v2 =	vadd.f32 v3, v4;
	_ =	sdelay $0x1  }
0x104: {  	[tilespmem:v6+s18+$0x0] =	vst.idx.msk $0xffff, v2  }
0x105: {  	v2 =	vmov s19;
	v8 =	vld.idx.msk [tilespmem:v5+s18+$0x0], $0xffff  }
0x106: {  	v2 =	vshll.u32 v2, $0x7;
	v9 =	vld [tilespmem:s2+$0x30]  }
.Ltmp1:
0x107: {  	v7 =	vbroadcast v2, $0x0;
	(pc) =	sbr.rel @p0 .LBB2_4-.Ltmp1, $4  }
0x108: {  	_ = 	snop  }
0x109: {  	v6 =	vadd.s32 v1, v7;
	v4 =	vor.u32 $0x80, v7;
	v3 =	vor.u32 $0x100, v7  }
0x10a: {  	v2 =	vor.u32 $0x180, v7  }
0x10b: {  	v8 =	vadd.f32 v8, v9  }
0x10c: {  	_ =	sdelay $0x3  }
0x10d: {  	[tilespmem:v5+s18+$0x0] =	vst.idx.msk $0xffff, v8  }
0x10e: {  	s1 =	sadd.s32 $0x80, s2;
	v5 =	vld.idx.msk [tilespmem:v6+s18+$0x0], $0xffff  }
0x10f: {  	v8 =	vld [tilespmem:s1+$0xFFFFFFC0];
	_ =	sdelay $0x2  }
0x110: {  	v7 =	vadd.s32 v0, v7;
	_ =	sdelay $0x1  }
0x111: {  	v5 =	vadd.f32 v5, v8;
	_ =	sdelay $0x1  }
0x112: {  	[tilespmem:v6+s18+$0x0] =	vst.idx.msk $0xffff, v5  }
0x113: {  	v5 =	vld.idx.msk [tilespmem:v7+s18+$0x0], $0xffff  }
0x114: {  	v6 =	vld [tilespmem:s1+$0xFFFFFFD0];
	_ =	sdelay $0x2  }
0x115: {  	v8 =	vadd.s32 v1, v4;
	_ =	sdelay $0x1  }
0x116: {  	v5 =	vadd.f32 v5, v6;
	_ =	sdelay $0x1  }
0x117: {  	[tilespmem:v7+s18+$0x0] =	vst.idx.msk $0xffff, v5  }
0x118: {  	v5 =	vld.idx.msk [tilespmem:v8+s18+$0x0], $0xffff  }
0x119: {  	v6 =	vld [tilespmem:s1+$0xFFFFFFE0];
	_ =	sdelay $0x2  }
0x11a: {  	v4 =	vadd.s32 v0, v4;
	_ =	sdelay $0x1  }
0x11b: {  	v5 =	vadd.f32 v5, v6;
	_ =	sdelay $0x1  }
0x11c: {  	[tilespmem:v8+s18+$0x0] =	vst.idx.msk $0xffff, v5  }
0x11d: {  	v5 =	vld.idx.msk [tilespmem:v4+s18+$0x0], $0xffff  }
0x11e: {  	v6 =	vld [tilespmem:s1+$0xFFFFFFF0];
	_ =	sdelay $0x2  }
0x11f: {  	v7 =	vadd.s32 v1, v3;
	_ =	sdelay $0x1  }
0x120: {  	v5 =	vadd.f32 v5, v6;
	_ =	sdelay $0x1  }
0x121: {  	[tilespmem:v4+s18+$0x0] =	vst.idx.msk $0xffff, v5  }
0x122: {  	v4 =	vld.idx.msk [tilespmem:v7+s18+$0x0], $0xffff  }
0x123: {  	v5 =	vld [tilespmem:s1+$0x0];
	_ =	sdelay $0x2  }
0x124: {  	v3 =	vadd.s32 v0, v3;
	_ =	sdelay $0x1  }
0x125: {  	v4 =	vadd.f32 v4, v5;
	_ =	sdelay $0x1  }
0x126: {  	[tilespmem:v7+s18+$0x0] =	vst.idx.msk $0xffff, v4  }
0x127: {  	v4 =	vld.idx.msk [tilespmem:v3+s18+$0x0], $0xffff  }
0x128: {  	v5 =	vld [tilespmem:s1+$0x10];
	_ =	sdelay $0x2  }
0x129: {  	v6 =	vadd.s32 v1, v2;
	_ =	sdelay $0x1  }
0x12a: {  	v4 =	vadd.f32 v4, v5;
	_ =	sdelay $0x1  }
0x12b: {  	[tilespmem:v3+s18+$0x0] =	vst.idx.msk $0xffff, v4  }
0x12c: {  	v3 =	vld.idx.msk [tilespmem:v6+s18+$0x0], $0xffff  }
0x12d: {  	v4 =	vld [tilespmem:s1+$0x20];
	_ =	sdelay $0x2  }
0x12e: {  	v2 =	vadd.s32 v0, v2;
	_ =	sdelay $0x1  }
0x12f: {  	v3 =	vadd.f32 v3, v4;
	_ =	sdelay $0x1  }
0x130: {  	[tilespmem:v6+s18+$0x0] =	vst.idx.msk $0xffff, v3  }
0x131: {  	v3 =	vld.idx.msk [tilespmem:v2+s18+$0x0], $0xffff  }
0x132: {  	v4 =	vld [tilespmem:s1+$0x30];
	_ =	sdelay $0x4  }
0x133: {  	v3 =	vadd.f32 v3, v4;
	_ =	sdelay $0x1  }
0x134: {  	s2 =	simm.s32 $0x0;
	[tilespmem:v2+s18+$0x0] =	vst.idx.msk $0xffff, v3  }
0x135: {  	[hbm4b:s11+s2] =	stream.linear.scatter [tilespmem:s18], [sflag:$0x7], $0x4000, $0x38;
	[tilespmem:$0xF080] =	vst v63  }
0x136: {  	_ =	swait.ge [sflag:s29], $0x4000  }
0x137: {  	[sflag:s29] =	ssyncset.done $0x0  }
0x138: {  	[sflag:s29] =	ssyncadd.s32 $0xFFFFC000  }
0x139: {  	v2 =	vmov s2;
	[tilespmem:s2], [sflag:$0x1] =	stream.linear.gather [hbm4b:s12+s2], $0x4000, $0x38;
	[tilespmem:$0xF080] =	vst v63  }
0x13a: {  	v2 =	vshll.u32 v2, $0x7  }
0x13b: {  	v2 =	vbroadcast v2, $0x0;
	[tilespmem:s17], [sflag:$0x4] =	stream.linear.gather [hbm4b:s13+s2], $0x1000, $0x38;
	[tilespmem:$0xF080] =	vst v63  }
0x13c: {  	_ =	swait.ge [sflag:s30], $0x4000  }
0x13d: {  	v3 =	vadd.s32 v1, v2;
	[sflag:s30] =	ssyncset.done $0x0  }
0x13e: {  	[sflag:s30] =	ssyncadd.s32 $0xFFFFC000  }
0x13f: {  	_ =	swait.ge [sflag:s31], $0x1000  }
0x140: {  	[sflag:s31] =	ssyncset.done $0x0  }
0x141: {  	[sflag:s31] =	ssyncadd.s32 $0xFFFFF000  }
0x142: {  	s2 =	simm.s32 $0xE040;
	v4 =	vld.idx.msk [tilespmem:v3+s20+$0x0], $0xffff  }
0x143: {  	v5 =	vld [tilespmem:s2+$0xFFFFFFC0];
	_ =	sdelay $0x2  }
0x144: {  	v6 =	vadd.s32 v0, v2;
	_ =	sdelay $0x1  }
0x145: {  	v4 =	vadd.f32 v4, v5;
	_ =	sdelay $0x1  }
0x146: {  	[tilespmem:v3+s20+$0x0] =	vst.idx.msk $0xffff, v4  }
0x147: {  	v3 =	vld.idx.msk [tilespmem:v6+s20+$0x0], $0xffff  }
0x148: {  	v4 =	vld [tilespmem:s2+$0xFFFFFFD0];
	_ =	sdelay $0x1  }
0x149: {  	v5 =	vor.u32 $0x80, v2  }
0x14a: {  	v7 =	vadd.s32 v1, v5;
	_ =	sdelay $0x1  }
0x14b: {  	v3 =	vadd.f32 v3, v4;
	_ =	sdelay $0x1  }
0x14c: {  	[tilespmem:v6+s20+$0x0] =	vst.idx.msk $0xffff, v3  }
0x14d: {  	v3 =	vld.idx.msk [tilespmem:v7+s20+$0x0], $0xffff  }
0x14e: {  	v4 =	vld [tilespmem:s2+$0xFFFFFFE0];
	_ =	sdelay $0x2  }
0x14f: {  	v5 =	vadd.s32 v0, v5;
	_ =	sdelay $0x1  }
0x150: {  	v3 =	vadd.f32 v3, v4;
	_ =	sdelay $0x1  }
0x151: {  	[tilespmem:v7+s20+$0x0] =	vst.idx.msk $0xffff, v3  }
0x152: {  	v3 =	vld.idx.msk [tilespmem:v5+s20+$0x0], $0xffff  }
0x153: {  	v4 =	vld [tilespmem:s2+$0xFFFFFFF0];
	_ =	sdelay $0x1  }
0x154: {  	v6 =	vor.u32 $0x100, v2  }
0x155: {  	v7 =	vadd.s32 v1, v6;
	_ =	sdelay $0x1  }
0x156: {  	v3 =	vadd.f32 v3, v4;
	_ =	sdelay $0x1  }
0x157: {  	[tilespmem:v5+s20+$0x0] =	vst.idx.msk $0xffff, v3  }
0x158: {  	v3 =	vld.idx.msk [tilespmem:v7+s20+$0x0], $0xffff  }
0x159: {  	v4 =	vld [tilespmem:s2+$0x0];
	_ =	sdelay $0x2  }
0x15a: {  	v5 =	vadd.s32 v0, v6;
	_ =	sdelay $0x1  }
0x15b: {  	v3 =	vadd.f32 v3, v4;
	_ =	sdelay $0x1  }
0x15c: {  	[tilespmem:v7+s20+$0x0] =	vst.idx.msk $0xffff, v3  }
0x15d: {  	v3 =	vld.idx.msk [tilespmem:v5+s20+$0x0], $0xffff  }
0x15e: {  	v4 =	vld [tilespmem:s2+$0x10];
	_ =	sdelay $0x1  }
0x15f: {  	v2 =	vor.u32 $0x180, v2  }
0x160: {  	v6 =	vadd.s32 v1, v2;
	_ =	sdelay $0x1  }
0x161: {  	v3 =	vadd.f32 v3, v4;
	_ =	sdelay $0x1  }
0x162: {  	[tilespmem:v5+s20+$0x0] =	vst.idx.msk $0xffff, v3  }
0x163: {  	v3 =	vld.idx.msk [tilespmem:v6+s20+$0x0], $0xffff  }
0x164: {  	v4 =	vld [tilespmem:s2+$0x20];
	_ =	sdelay $0x2  }
0x165: {  	v5 =	vadd.s32 v0, v2;
	_ =	sdelay $0x1  }
0x166: {  	v2 =	vadd.f32 v3, v4;
	_ =	sdelay $0x1  }
0x167: {  	s19 =	simm.s32 $0x4;
	[tilespmem:v6+s20+$0x0] =	vst.idx.msk $0xffff, v2  }
0x168: {  	v2 =	vmov s19;
	v8 =	vld.idx.msk [tilespmem:v5+s20+$0x0], $0xffff  }
0x169: {  	v9 =	vld [tilespmem:s2+$0x30];
	v2 =	vshll.u32 v2, $0x7  }
0x16a: {  	v7 =	vbroadcast v2, $0x0;
	_ =	sdelay $0x1  }
0x16b: {  	v6 =	vadd.s32 v1, v7  }
0x16c: {  	v4 =	vor.u32 $0x80, v7  }
0x16d: {  	s1 =	simm.s32 $0x8;
	v3 =	vor.u32 $0x100, v7;
	v2 =	vor.u32 $0x180, v7;
	v8 =	vadd.f32 v8, v9  }
.LBB2_6:
0x16e: {  	p0 =	sne.s32 s1, $0x7C  }
0x16f: {  	s2 =	sadd.s32 $0x80, s2;
	s19 =	smov.u32 s1;
	s1 =	sadd.s32 $0x4, s1;
	[tilespmem:v5+s20+$0x0] =	vst.idx.msk $0xffff, v8  }
0x170: {  	v5 =	vld.idx.msk [tilespmem:v6+s20+$0x0], $0xffff  }
0x171: {  	v8 =	vld [tilespmem:s2+$0xFFFFFFC0];
	_ =	sdelay $0x2  }
0x172: {  	v7 =	vadd.s32 v0, v7;
	_ =	sdelay $0x1  }
0x173: {  	v5 =	vadd.f32 v5, v8;
	_ =	sdelay $0x1  }
0x174: {  	[tilespmem:v6+s20+$0x0] =	vst.idx.msk $0xffff, v5  }
0x175: {  	v5 =	vld.idx.msk [tilespmem:v7+s20+$0x0], $0xffff  }
0x176: {  	v6 =	vld [tilespmem:s2+$0xFFFFFFD0];
	_ =	sdelay $0x2  }
0x177: {  	v8 =	vadd.s32 v1, v4;
	_ =	sdelay $0x1  }
0x178: {  	v5 =	vadd.f32 v5, v6;
	_ =	sdelay $0x1  }
0x179: {  	[tilespmem:v7+s20+$0x0] =	vst.idx.msk $0xffff, v5  }
0x17a: {  	v5 =	vld.idx.msk [tilespmem:v8+s20+$0x0], $0xffff  }
0x17b: {  	v6 =	vld [tilespmem:s2+$0xFFFFFFE0];
	_ =	sdelay $0x2  }
0x17c: {  	v4 =	vadd.s32 v0, v4;
	_ =	sdelay $0x1  }
0x17d: {  	v5 =	vadd.f32 v5, v6;
	_ =	sdelay $0x1  }
0x17e: {  	[tilespmem:v8+s20+$0x0] =	vst.idx.msk $0xffff, v5  }
0x17f: {  	v5 =	vld.idx.msk [tilespmem:v4+s20+$0x0], $0xffff  }
0x180: {  	v6 =	vld [tilespmem:s2+$0xFFFFFFF0];
	_ =	sdelay $0x2  }
0x181: {  	v7 =	vadd.s32 v1, v3;
	_ =	sdelay $0x1  }
0x182: {  	v5 =	vadd.f32 v5, v6;
	_ =	sdelay $0x1  }
0x183: {  	[tilespmem:v4+s20+$0x0] =	vst.idx.msk $0xffff, v5  }
0x184: {  	v4 =	vld.idx.msk [tilespmem:v7+s20+$0x0], $0xffff  }
0x185: {  	v5 =	vld [tilespmem:s2+$0x0];
	_ =	sdelay $0x2  }
0x186: {  	v3 =	vadd.s32 v0, v3;
	_ =	sdelay $0x1  }
0x187: {  	v4 =	vadd.f32 v4, v5;
	_ =	sdelay $0x1  }
0x188: {  	[tilespmem:v7+s20+$0x0] =	vst.idx.msk $0xffff, v4  }
0x189: {  	v4 =	vld.idx.msk [tilespmem:v3+s20+$0x0], $0xffff  }
0x18a: {  	v5 =	vld [tilespmem:s2+$0x10];
	_ =	sdelay $0x2  }
0x18b: {  	v6 =	vadd.s32 v1, v2;
	_ =	sdelay $0x1  }
0x18c: {  	v4 =	vadd.f32 v4, v5;
	_ =	sdelay $0x1  }
0x18d: {  	[tilespmem:v3+s20+$0x0] =	vst.idx.msk $0xffff, v4  }
0x18e: {  	v3 =	vld.idx.msk [tilespmem:v6+s20+$0x0], $0xffff  }
0x18f: {  	v4 =	vld [tilespmem:s2+$0x20];
	_ =	sdelay $0x2  }
0x190: {  	v5 =	vadd.s32 v0, v2;
	_ =	sdelay $0x1  }
0x191: {  	v2 =	vadd.f32 v3, v4;
	_ =	sdelay $0x1  }
0x192: {  	[tilespmem:v6+s20+$0x0] =	vst.idx.msk $0xffff, v2  }
0x193: {  	v2 =	vmov s19;
	v8 =	vld.idx.msk [tilespmem:v5+s20+$0x0], $0xffff  }
0x194: {  	v2 =	vshll.u32 v2, $0x7;
	v9 =	vld [tilespmem:s2+$0x30]  }
.Ltmp2:
0x195: {  	v7 =	vbroadcast v2, $0x0;
	(pc) =	sbr.rel @p0 .LBB2_6-.Ltmp2, $4  }
0x196: {  	_ = 	snop  }
0x197: {  	v6 =	vadd.s32 v1, v7;
	v4 =	vor.u32 $0x80, v7;
	v3 =	vor.u32 $0x100, v7  }
0x198: {  	v2 =	vor.u32 $0x180, v7  }
0x199: {  	v8 =	vadd.f32 v8, v9  }
0x19a: {  	_ =	sdelay $0x3  }
0x19b: {  	[tilespmem:v5+s20+$0x0] =	vst.idx.msk $0xffff, v8  }
0x19c: {  	s1 =	sadd.s32 $0x80, s2;
	v5 =	vld.idx.msk [tilespmem:v6+s20+$0x0], $0xffff  }
0x19d: {  	v8 =	vld [tilespmem:s1+$0xFFFFFFC0];
	_ =	sdelay $0x2  }
0x19e: {  	v7 =	vadd.s32 v0, v7;
	_ =	sdelay $0x1  }
0x19f: {  	v5 =	vadd.f32 v5, v8;
	_ =	sdelay $0x1  }
0x1a0: {  	[tilespmem:v6+s20+$0x0] =	vst.idx.msk $0xffff, v5  }
0x1a1: {  	v5 =	vld.idx.msk [tilespmem:v7+s20+$0x0], $0xffff  }
0x1a2: {  	v6 =	vld [tilespmem:s1+$0xFFFFFFD0];
	_ =	sdelay $0x2  }
0x1a3: {  	v8 =	vadd.s32 v1, v4;
	_ =	sdelay $0x1  }
0x1a4: {  	v5 =	vadd.f32 v5, v6;
	_ =	sdelay $0x1  }
0x1a5: {  	[tilespmem:v7+s20+$0x0] =	vst.idx.msk $0xffff, v5  }
0x1a6: {  	v5 =	vld.idx.msk [tilespmem:v8+s20+$0x0], $0xffff  }
0x1a7: {  	v6 =	vld [tilespmem:s1+$0xFFFFFFE0];
	_ =	sdelay $0x2  }
0x1a8: {  	v4 =	vadd.s32 v0, v4;
	_ =	sdelay $0x1  }
0x1a9: {  	v5 =	vadd.f32 v5, v6;
	_ =	sdelay $0x1  }
0x1aa: {  	[tilespmem:v8+s20+$0x0] =	vst.idx.msk $0xffff, v5  }
0x1ab: {  	v5 =	vld.idx.msk [tilespmem:v4+s20+$0x0], $0xffff  }
0x1ac: {  	v6 =	vld [tilespmem:s1+$0xFFFFFFF0];
	_ =	sdelay $0x2  }
0x1ad: {  	v7 =	vadd.s32 v1, v3;
	_ =	sdelay $0x1  }
0x1ae: {  	v5 =	vadd.f32 v5, v6;
	_ =	sdelay $0x1  }
0x1af: {  	[tilespmem:v4+s20+$0x0] =	vst.idx.msk $0xffff, v5  }
0x1b0: {  	v4 =	vld.idx.msk [tilespmem:v7+s20+$0x0], $0xffff  }
0x1b1: {  	v5 =	vld [tilespmem:s1+$0x0];
	_ =	sdelay $0x2  }
0x1b2: {  	v3 =	vadd.s32 v0, v3;
	_ =	sdelay $0x1  }
0x1b3: {  	v4 =	vadd.f32 v4, v5;
	_ =	sdelay $0x1  }
0x1b4: {  	[tilespmem:v7+s20+$0x0] =	vst.idx.msk $0xffff, v4  }
0x1b5: {  	v4 =	vld.idx.msk [tilespmem:v3+s20+$0x0], $0xffff  }
0x1b6: {  	v5 =	vld [tilespmem:s1+$0x10];
	_ =	sdelay $0x2  }
0x1b7: {  	v6 =	vadd.s32 v1, v2;
	_ =	sdelay $0x1  }
0x1b8: {  	v4 =	vadd.f32 v4, v5;
	_ =	sdelay $0x1  }
0x1b9: {  	[tilespmem:v3+s20+$0x0] =	vst.idx.msk $0xffff, v4  }
0x1ba: {  	v3 =	vld.idx.msk [tilespmem:v6+s20+$0x0], $0xffff  }
0x1bb: {  	v4 =	vld [tilespmem:s1+$0x20];
	_ =	sdelay $0x2  }
0x1bc: {  	v2 =	vadd.s32 v0, v2;
	_ =	sdelay $0x1  }
0x1bd: {  	v3 =	vadd.f32 v3, v4;
	_ =	sdelay $0x1  }
0x1be: {  	[tilespmem:v6+s20+$0x0] =	vst.idx.msk $0xffff, v3  }
0x1bf: {  	v3 =	vld.idx.msk [tilespmem:v2+s20+$0x0], $0xffff  }
0x1c0: {  	v4 =	vld [tilespmem:s1+$0x30];
	_ =	sdelay $0x4  }
0x1c1: {  	s2 =	simm.s32 $0x0;
	v3 =	vadd.f32 v3, v4  }
0x1c2: {  	v4 =	vmov s2  }
0x1c3: {  	[tilespmem:v2+s20+$0x0] =	vst.idx.msk $0xffff, v3;
	v2 =	vshll.u32 v4, $0x7  }
0x1c4: {  	[hbm4b:s14+s2] =	stream.linear.scatter [tilespmem:s20], [sflag:$0x7], $0x4000, $0x38;
	v2 =	vbroadcast v2, $0x0;
	[tilespmem:$0xF080] =	vst v63  }
0x1c5: {  	_ =	swait.ge [sflag:s24], $0x4000  }
0x1c6: {  	[sflag:s24] =	ssyncset.done $0x0;
	v3 =	vadd.s32 v1, v2  }
0x1c7: {  	[sflag:s24] =	ssyncadd.s32 $0xFFFFC000  }
0x1c8: {  	_ =	swait.ge [sflag:s25], $0x1000  }
0x1c9: {  	[sflag:s25] =	ssyncset.done $0x0  }
0x1ca: {  	[sflag:s25] =	ssyncadd.s32 $0xFFFFF000  }
0x1cb: {  	s2 =	simm.s32 $0xC040;
	v4 =	vld.idx.msk [tilespmem:v3+s3+$0x0], $0xffff  }
0x1cc: {  	v5 =	vld [tilespmem:s2+$0xFFFFFFC0];
	_ =	sdelay $0x2  }
0x1cd: {  	v6 =	vadd.s32 v0, v2;
	_ =	sdelay $0x1  }
0x1ce: {  	v4 =	vadd.f32 v4, v5;
	_ =	sdelay $0x1  }
0x1cf: {  	[tilespmem:v3+s3+$0x0] =	vst.idx.msk $0xffff, v4  }
0x1d0: {  	v3 =	vld.idx.msk [tilespmem:v6+s3+$0x0], $0xffff  }
0x1d1: {  	v4 =	vld [tilespmem:s2+$0xFFFFFFD0];
	_ =	sdelay $0x1  }
0x1d2: {  	v5 =	vor.u32 $0x80, v2  }
0x1d3: {  	v7 =	vadd.s32 v1, v5;
	_ =	sdelay $0x1  }
0x1d4: {  	v3 =	vadd.f32 v3, v4;
	_ =	sdelay $0x1  }
0x1d5: {  	[tilespmem:v6+s3+$0x0] =	vst.idx.msk $0xffff, v3  }
0x1d6: {  	v3 =	vld.idx.msk [tilespmem:v7+s3+$0x0], $0xffff  }
0x1d7: {  	v4 =	vld [tilespmem:s2+$0xFFFFFFE0];
	_ =	sdelay $0x2  }
0x1d8: {  	v5 =	vadd.s32 v0, v5;
	_ =	sdelay $0x1  }
0x1d9: {  	v3 =	vadd.f32 v3, v4;
	_ =	sdelay $0x1  }
0x1da: {  	[tilespmem:v7+s3+$0x0] =	vst.idx.msk $0xffff, v3  }
0x1db: {  	v3 =	vld.idx.msk [tilespmem:v5+s3+$0x0], $0xffff  }
0x1dc: {  	v4 =	vld [tilespmem:s2+$0xFFFFFFF0];
	_ =	sdelay $0x1  }
0x1dd: {  	v6 =	vor.u32 $0x100, v2  }
0x1de: {  	v7 =	vadd.s32 v1, v6;
	_ =	sdelay $0x1  }
0x1df: {  	v3 =	vadd.f32 v3, v4;
	_ =	sdelay $0x1  }
0x1e0: {  	[tilespmem:v5+s3+$0x0] =	vst.idx.msk $0xffff, v3  }
0x1e1: {  	v3 =	vld.idx.msk [tilespmem:v7+s3+$0x0], $0xffff  }
0x1e2: {  	v4 =	vld [tilespmem:s2+$0x0];
	_ =	sdelay $0x2  }
0x1e3: {  	v5 =	vadd.s32 v0, v6;
	_ =	sdelay $0x1  }
0x1e4: {  	v3 =	vadd.f32 v3, v4;
	_ =	sdelay $0x1  }
0x1e5: {  	[tilespmem:v7+s3+$0x0] =	vst.idx.msk $0xffff, v3  }
0x1e6: {  	v3 =	vld.idx.msk [tilespmem:v5+s3+$0x0], $0xffff  }
0x1e7: {  	v4 =	vld [tilespmem:s2+$0x10];
	_ =	sdelay $0x1  }
0x1e8: {  	v2 =	vor.u32 $0x180, v2  }
0x1e9: {  	v6 =	vadd.s32 v1, v2;
	_ =	sdelay $0x1  }
0x1ea: {  	v3 =	vadd.f32 v3, v4;
	_ =	sdelay $0x1  }
0x1eb: {  	[tilespmem:v5+s3+$0x0] =	vst.idx.msk $0xffff, v3  }
0x1ec: {  	v3 =	vld.idx.msk [tilespmem:v6+s3+$0x0], $0xffff  }
0x1ed: {  	v4 =	vld [tilespmem:s2+$0x20];
	_ =	sdelay $0x2  }
0x1ee: {  	v5 =	vadd.s32 v0, v2;
	_ =	sdelay $0x1  }
0x1ef: {  	v2 =	vadd.f32 v3, v4;
	_ =	sdelay $0x1  }
0x1f0: {  	s19 =	simm.s32 $0x4;
	[tilespmem:v6+s3+$0x0] =	vst.idx.msk $0xffff, v2  }
0x1f1: {  	v2 =	vmov s19;
	v8 =	vld.idx.msk [tilespmem:v5+s3+$0x0], $0xffff  }
0x1f2: {  	v9 =	vld [tilespmem:s2+$0x30];
	v2 =	vshll.u32 v2, $0x7  }
0x1f3: {  	v7 =	vbroadcast v2, $0x0;
	_ =	sdelay $0x1  }
0x1f4: {  	v6 =	vadd.s32 v1, v7  }
0x1f5: {  	v4 =	vor.u32 $0x80, v7  }
0x1f6: {  	s1 =	simm.s32 $0x8;
	v3 =	vor.u32 $0x100, v7;
	v2 =	vor.u32 $0x180, v7;
	v8 =	vadd.f32 v8, v9  }
.LBB2_8:
0x1f7: {  	p0 =	sne.s32 s1, $0x7C  }
0x1f8: {  	s2 =	sadd.s32 $0x80, s2;
	s19 =	smov.u32 s1;
	s1 =	sadd.s32 $0x4, s1;
	[tilespmem:v5+s3+$0x0] =	vst.idx.msk $0xffff, v8  }
0x1f9: {  	v5 =	vld.idx.msk [tilespmem:v6+s3+$0x0], $0xffff  }
0x1fa: {  	v8 =	vld [tilespmem:s2+$0xFFFFFFC0];
	_ =	sdelay $0x2  }
0x1fb: {  	v7 =	vadd.s32 v0, v7;
	_ =	sdelay $0x1  }
0x1fc: {  	v5 =	vadd.f32 v5, v8;
	_ =	sdelay $0x1  }
0x1fd: {  	[tilespmem:v6+s3+$0x0] =	vst.idx.msk $0xffff, v5  }
0x1fe: {  	v5 =	vld.idx.msk [tilespmem:v7+s3+$0x0], $0xffff  }
0x1ff: {  	v6 =	vld [tilespmem:s2+$0xFFFFFFD0];
	_ =	sdelay $0x2  }
0x200: {  	v8 =	vadd.s32 v1, v4;
	_ =	sdelay $0x1  }
0x201: {  	v5 =	vadd.f32 v5, v6;
	_ =	sdelay $0x1  }
0x202: {  	[tilespmem:v7+s3+$0x0] =	vst.idx.msk $0xffff, v5  }
0x203: {  	v5 =	vld.idx.msk [tilespmem:v8+s3+$0x0], $0xffff  }
0x204: {  	v6 =	vld [tilespmem:s2+$0xFFFFFFE0];
	_ =	sdelay $0x2  }
0x205: {  	v4 =	vadd.s32 v0, v4;
	_ =	sdelay $0x1  }
0x206: {  	v5 =	vadd.f32 v5, v6;
	_ =	sdelay $0x1  }
0x207: {  	[tilespmem:v8+s3+$0x0] =	vst.idx.msk $0xffff, v5  }
0x208: {  	v5 =	vld.idx.msk [tilespmem:v4+s3+$0x0], $0xffff  }
0x209: {  	v6 =	vld [tilespmem:s2+$0xFFFFFFF0];
	_ =	sdelay $0x2  }
0x20a: {  	v7 =	vadd.s32 v1, v3;
	_ =	sdelay $0x1  }
0x20b: {  	v5 =	vadd.f32 v5, v6;
	_ =	sdelay $0x1  }
0x20c: {  	[tilespmem:v4+s3+$0x0] =	vst.idx.msk $0xffff, v5  }
0x20d: {  	v4 =	vld.idx.msk [tilespmem:v7+s3+$0x0], $0xffff  }
0x20e: {  	v5 =	vld [tilespmem:s2+$0x0];
	_ =	sdelay $0x2  }
0x20f: {  	v3 =	vadd.s32 v0, v3;
	_ =	sdelay $0x1  }
0x210: {  	v4 =	vadd.f32 v4, v5;
	_ =	sdelay $0x1  }
0x211: {  	[tilespmem:v7+s3+$0x0] =	vst.idx.msk $0xffff, v4  }
0x212: {  	v4 =	vld.idx.msk [tilespmem:v3+s3+$0x0], $0xffff  }
0x213: {  	v5 =	vld [tilespmem:s2+$0x10];
	_ =	sdelay $0x2  }
0x214: {  	v6 =	vadd.s32 v1, v2;
	_ =	sdelay $0x1  }
0x215: {  	v4 =	vadd.f32 v4, v5;
	_ =	sdelay $0x1  }
0x216: {  	[tilespmem:v3+s3+$0x0] =	vst.idx.msk $0xffff, v4  }
0x217: {  	v3 =	vld.idx.msk [tilespmem:v6+s3+$0x0], $0xffff  }
0x218: {  	v4 =	vld [tilespmem:s2+$0x20];
	_ =	sdelay $0x2  }
0x219: {  	v5 =	vadd.s32 v0, v2;
	_ =	sdelay $0x1  }
0x21a: {  	v2 =	vadd.f32 v3, v4;
	_ =	sdelay $0x1  }
0x21b: {  	[tilespmem:v6+s3+$0x0] =	vst.idx.msk $0xffff, v2  }
0x21c: {  	v2 =	vmov s19;
	v8 =	vld.idx.msk [tilespmem:v5+s3+$0x0], $0xffff  }
0x21d: {  	v2 =	vshll.u32 v2, $0x7;
	v9 =	vld [tilespmem:s2+$0x30]  }
.Ltmp3:
0x21e: {  	v7 =	vbroadcast v2, $0x0;
	(pc) =	sbr.rel @p0 .LBB2_8-.Ltmp3, $4  }
0x21f: {  	_ = 	snop  }
0x220: {  	v6 =	vadd.s32 v1, v7;
	v4 =	vor.u32 $0x80, v7;
	v3 =	vor.u32 $0x100, v7  }
0x221: {  	v2 =	vor.u32 $0x180, v7  }
0x222: {  	v8 =	vadd.f32 v8, v9  }
0x223: {  	_ =	sdelay $0x3  }
0x224: {  	[tilespmem:v5+s3+$0x0] =	vst.idx.msk $0xffff, v8  }
0x225: {  	s1 =	sadd.s32 $0x80, s2;
	v5 =	vld.idx.msk [tilespmem:v6+s3+$0x0], $0xffff  }
0x226: {  	v8 =	vld [tilespmem:s1+$0xFFFFFFC0];
	_ =	sdelay $0x2  }
0x227: {  	v7 =	vadd.s32 v0, v7;
	_ =	sdelay $0x1  }
0x228: {  	v5 =	vadd.f32 v5, v8;
	_ =	sdelay $0x1  }
0x229: {  	[tilespmem:v6+s3+$0x0] =	vst.idx.msk $0xffff, v5  }
0x22a: {  	v5 =	vld.idx.msk [tilespmem:v7+s3+$0x0], $0xffff  }
0x22b: {  	v6 =	vld [tilespmem:s1+$0xFFFFFFD0];
	_ =	sdelay $0x2  }
0x22c: {  	v54 =	vadd.s32 v1, v4;
	_ =	sdelay $0x1  }
0x22d: {  	v5 =	vadd.f32 v5, v6;
	_ =	sdelay $0x1  }
0x22e: {  	[tilespmem:v7+s3+$0x0] =	vst.idx.msk $0xffff, v5  }
0x22f: {  	v5 =	vld.idx.msk [tilespmem:v54+s3+$0x0], $0xffff  }
0x230: {  	v55 =	vld [tilespmem:s1+$0xFFFFFFE0];
	_ =	sdelay $0x2  }
0x231: {  	v56 =	vadd.s32 v0, v4;
	_ =	sdelay $0x1  }
0x232: {  	v5 =	vadd.f32 v5, v55;
	_ =	sdelay $0x1  }
0x233: {  	[tilespmem:v54+s3+$0x0] =	vst.idx.msk $0xffff, v5  }
0x234: {  	v5 =	vld.idx.msk [tilespmem:v56+s3+$0x0], $0xffff  }
0x235: {  	v57 =	vld [tilespmem:s1+$0xFFFFFFF0];
	_ =	sdelay $0x2  }
0x236: {  	v58 =	vadd.s32 v1, v3;
	_ =	sdelay $0x1  }
0x237: {  	v5 =	vadd.f32 v5, v57;
	_ =	sdelay $0x1  }
0x238: {  	[tilespmem:v56+s3+$0x0] =	vst.idx.msk $0xffff, v5  }
0x239: {  	v4 =	vld.idx.msk [tilespmem:v58+s3+$0x0], $0xffff  }
0x23a: {  	v5 =	vld [tilespmem:s1+$0x0];
	_ =	sdelay $0x2  }
0x23b: {  	v59 =	vadd.s32 v0, v3;
	_ =	sdelay $0x1  }
0x23c: {  	v4 =	vadd.f32 v4, v5;
	_ =	sdelay $0x1  }
0x23d: {  	[tilespmem:v58+s3+$0x0] =	vst.idx.msk $0xffff, v4  }
0x23e: {  	v4 =	vld.idx.msk [tilespmem:v59+s3+$0x0], $0xffff  }
0x23f: {  	v60 =	vld [tilespmem:s1+$0x10];
	_ =	sdelay $0x2  }
0x240: {  	v61 =	vadd.s32 v1, v2;
	_ =	sdelay $0x1  }
0x241: {  	v4 =	vadd.f32 v4, v60;
	_ =	sdelay $0x1  }
0x242: {  	[tilespmem:v59+s3+$0x0] =	vst.idx.msk $0xffff, v4  }
0x243: {  	v3 =	vld.idx.msk [tilespmem:v61+s3+$0x0], $0xffff  }
0x244: {  	v4 =	vld [tilespmem:s1+$0x20];
	_ =	sdelay $0x2  }
0x245: {  	v62 =	vadd.s32 v0, v2;
	_ =	sdelay $0x1  }
0x246: {  	v63 =	vadd.f32 v3, v4;
	_ =	sdelay $0x1  }
0x247: {  	[tilespmem:v61+s3+$0x0] =	vst.idx.msk $0xffff, v63  }
0x248: {  	v1 =	vld.idx.msk [tilespmem:v62+s3+$0x0], $0xffff  }
0x249: {  	v2 =	vld [tilespmem:s1+$0x30];
	_ =	sdelay $0x4  }
0x24a: {  	v1 =	vadd.f32 v1, v2;
	_ =	sdelay $0x1  }
0x24b: {  	[tilespmem:v62+s3+$0x0] =	vst.idx.msk $0xffff, v1  }
0x24c: {  	[hbm4b:s15+s3] =	stream.linear.scatter [tilespmem:s3], [sflag:$0x7], $0x4000, $0x38;
	[tilespmem:$0xF080] =	vst v63  }
0x24d: {  	_ =	swait.ge [sflag:s29], $0x4000  }
0x24e: {  	[sflag:s29] =	ssyncset.done $0x0  }
0x24f: {  	s0 =	sadd.s32 $0x1, s0;
	[sflag:s29] =	ssyncadd.s32 $0xFFFFC000  }
0x250: {  	p0 =	sne.s32 s0, s16;
	_ =	swait.ge [sflag:s29], $0x4000  }
.Ltmp4:
0x251: {  	[sflag:s29] =	ssyncset.done $0x0;
	(pc) =	sbr.rel @p0 .LBB2_1-.Ltmp4, $4  }
0x252: {  	[sflag:s29] =	ssyncadd.s32 $0xFFFFC000  }
0x253: {  	_ =	swait.ge [sflag:s29], $0x4000  }
0x254: {  	[sflag:s29] =	ssyncset.done $0x0  }
0x255: {  	[sflag:s29] =	ssyncadd.s32 $0xFFFFC000  }
0x256: {  	_ =	sfence.sel $0x180000  }
0x257: {  	[bflag:$0x0] =	sbarrier.arrive $0xFFFF  }
0x258: {  	_ =	strace $0x90000047  }
0x259: {  	s0 =	stileid.u32;
	[bflag:$0x2] =	sbarrier.arrive $0xFFFF  }
0x25a: {  	p0 =	sne.s32 s0, $0x0;
	s0 =	rddreg [dreg:$0x4]  }
0x25b: {  	s0 =	sadd.s32 @!p0 $0x100000, s0  }
0x25c: {  	[sflag:s0] =	ssyncadd.tile.s32 @!p0 $0x1;
	_ =	shalt  }
.Lfunc_end2:
_tile_overlayer_lowered:
.L_overlay_start_2:
0x25d: {  	(tag) =	ssettag $0x2  }
0x25e: {  	s0 =	rddreg [dreg:$0x0];
	s2 =	stileid.u32  }
0x25f: {  	s1 =	rddreg [dreg:$0x1];
	p0 =	sne.s32 s2, $0x0  }
0x260: {  	s3 =	rddreg [dreg:$0x2];
	[bflag:$0x3] =	sbarrier.arrive $0xFFFF;
	s2 =	simm.s32 @!p0 $0x1C08  }
0x261: {  	[timem:s3], [sflag:s2] =	dma.local @!p0 [hbm:s0], s1  }
0x262: {  	s0 =	simm.s32 @!p0 $0x8  }
0x263: {  	_ =	swait.ge @!p0 [sflag:s0], s1  }
0x264: {  	s1 =	ssub.s32 @!p0 $0x0, s1;
	[sflag:s0] =	ssyncset.done @!p0 $0x0  }
0x265: {  	[sflag:s0] =	ssyncadd.s32 @!p0 s1  }
0x266: {  	[bflag:$0x3] =	sbarrier.arrive $0xFFFF  }
0x267: {  	_ =	shalt  }

</sc_bundles>
